<compile_context>
chip_gen: v7x
topology: tpu7x:2x2x1
jax: 0.10.2.dev20260603
libtpu: 0.0.44.dev20260713+nightly
codegen_flags: <defaults>
</compile_context>

<pallas_src>
import functools

import jax
import jax.numpy as jnp
from jax import lax
from jax.experimental import pallas as pl
from jax.experimental.pallas import tpu as pltpu
from jax.experimental.pallas import tpu_sc as plsc

N_NODES = 10000
D_FEAT = 128
N_PAIR = D_FEAT // 2
N_EDGES = 320000

NUM_CORES = 2
NUM_SUBCORES = 16
NUM_WORKERS = NUM_CORES * NUM_SUBCORES
EDGES_PER_WORKER = N_EDGES // NUM_WORKERS
CHUNK = 80
NCHUNK = EDGES_PER_WORKER // CHUNK
GROUPS = CHUNK // 16
STAGE_ROWS = 200
N_STAGE_PIECES = N_NODES // STAGE_ROWS

_mesh = plsc.VectorSubcoreMesh(core_axis_name="c", subcore_axis_name="s")


@functools.partial(
    pl.kernel,
    mesh=_mesh,
    compiler_params=pltpu.CompilerParams(
        needs_layout_passes=False, use_tc_tiling_on_sc=False),
    out_type=jax.ShapeDtypeStruct((N_EDGES,), jnp.float32),
    scratch_types=[
        pltpu.VMEM((NCHUNK, CHUNK), jnp.int32),
        pltpu.VMEM((NCHUNK, CHUNK), jnp.int32),
        pltpu.VMEM((CHUNK, N_PAIR), jnp.float32),
        pltpu.VMEM((CHUNK, N_PAIR), jnp.float32),
        pltpu.VMEM((CHUNK, N_PAIR), jnp.float32),
        pltpu.VMEM((CHUNK, N_PAIR), jnp.float32),
        pltpu.VMEM((N_PAIR, 32), jnp.bfloat16),
        pltpu.VMEM((EDGES_PER_WORKER,), jnp.float32),
        pltpu.VMEM((STAGE_ROWS, N_PAIR), jnp.float32),
        pltpu.VMEM_SHARED((N_NODES, N_PAIR), jnp.float32),
        pltpu.SemaphoreType.DMA((2,)),
        pltpu.SemaphoreType.DMA((2,)),
    ],
)
def _decoder_sc(nf_hbm, r_hbm, c_hbm, wb_hbm, out_hbm,
                ri_v, ci_v, rr0, rr1, cr0, cr1, wb_v, out_v, stage_v,
                table_sh, sem_r, sem_c):
    sid = lax.axis_index("s")
    wid = sid * NUM_CORES + lax.axis_index("c")
    pltpu.sync_copy(wb_hbm, wb_v)
    pltpu.sync_copy(r_hbm.at[wid], ri_v)
    pltpu.sync_copy(c_hbm.at[wid], ci_v)

    def stage_body(k, carry):
        piece = sid + k * NUM_SUBCORES

        @pl.when(piece < N_STAGE_PIECES)
        def _():
            off = piece * STAGE_ROWS
            pltpu.sync_copy(nf_hbm.at[pl.ds(off, STAGE_ROWS)], stage_v)
            pltpu.sync_copy(stage_v, table_sh.at[pl.ds(off, STAGE_ROWS)])

        return carry

    lax.fori_loop(0, (N_STAGE_PIECES + NUM_SUBCORES - 1) // NUM_SUBCORES,
                  stage_body, 0)
    plsc.subcore_barrier()

    base = wid * EDGES_PER_WORKER
    lane = lax.iota(jnp.int32, 16)
    bufs = ((rr0, cr0), (rr1, cr1))

    def start_gathers(i, b):
        rr, cr = bufs[b]
        pltpu.async_copy(table_sh.at[ri_v.at[i]], rr, sem_r.at[b])
        pltpu.async_copy(table_sh.at[ci_v.at[i]], cr, sem_c.at[b])

    def wait_gathers(i, b):
        rr, cr = bufs[b]
        pltpu.make_async_copy(table_sh.at[ri_v.at[i]], rr,
                              sem_r.at[b]).wait()
        pltpu.make_async_copy(table_sh.at[ci_v.at[i]], cr,
                              sem_c.at[b]).wait()

    def compute_chunk(i, b):
        rr, cr = bufs[b]
        evecs = [lane + g * 16 for g in range(GROUPS)]

        def p_body(p, accs):
            wv = wb_v[p]
            pvec = (jnp.full((16,), p, dtype=jnp.int32) + lane) & (N_PAIR - 1)
            new = []
            for g in range(GROUPS):
                ar = plsc.load_gather(rr, [evecs[g], pvec])
                ac = plsc.load_gather(cr, [evecs[g], pvec])
                arb = plsc.bitcast(ar, jnp.bfloat16)
                acb = plsc.bitcast(ac, jnp.bfloat16)
                m = jnp.abs(arb - acb) * wv
                lo, hi = plsc.unpack(m, format=plsc.PackFormat.INTERLEAVED)
                new.append(accs[2 * g] + lo)
                new.append(accs[2 * g + 1] + hi)
            return tuple(new)

        zero = jnp.zeros((16,), jnp.float32)
        accs = lax.fori_loop(0, N_PAIR, p_body, (zero,) * (2 * GROUPS),
                             unroll=1)
        for g in range(GROUPS):
            plsc.store_scatter(out_v, [evecs[g] + i * CHUNK],
                               accs[2 * g] + accs[2 * g + 1])

    start_gathers(0, 0)

    def pair_body(j, carry):
        i0 = 2 * j
        start_gathers(i0 + 1, 1)
        wait_gathers(i0, 0)
        compute_chunk(i0, 0)
        start_gathers(i0 + 2, 0)
        wait_gathers(i0 + 1, 1)
        compute_chunk(i0 + 1, 1)
        return carry

    lax.fori_loop(0, (NCHUNK - 1) // 2, pair_body, 0)
    wait_gathers(NCHUNK - 1, 0)
    compute_chunk(NCHUNK - 1, 0)
    pltpu.sync_copy(out_v, out_hbm.at[pl.ds(base, EDGES_PER_WORKER)])


def kernel(node_features, r_indices, c_indices, w):
    r = r_indices.astype(jnp.int32).reshape(NUM_WORKERS, NCHUNK, CHUNK)
    c = c_indices.astype(jnp.int32).reshape(NUM_WORKERS, NCHUNK, CHUNK)
    nf_bf = node_features.astype(jnp.bfloat16)
    nf_packed = lax.bitcast_convert_type(
        nf_bf.reshape(N_NODES, N_PAIR, 2), jnp.float32)
    wf = w.reshape(D_FEAT).astype(jnp.bfloat16)
    q = (jnp.arange(N_PAIR)[:, None] + jnp.arange(16)[None, :]) % N_PAIR
    wb = jnp.stack([wf[2 * q], wf[2 * q + 1]], axis=-1).reshape(N_PAIR, 32)
    return _decoder_sc(nf_packed, r, c, wb)

# --- scband reference (transcript-rebuilt; emitter-appended) ---
"""Pipeline reference for scband-decoder-42159398978061 (READ-ONLY COPY).

The authoritative reference and input builder live on the scoring server;
editing this copy changes nothing except your own understanding.
"""

import jax, jax.numpy as jnp
import numpy as np

N_NODES = 10000
D_FEAT = 128
N_EDGES = 320000

def setup_inputs(seed: int = 0) -> dict:
    key = jax.random.key(seed)
    k1, k2, k3, k4 = jax.random.split(key, 4)
    node_features = jax.random.normal(k1, (N_NODES, D_FEAT), dtype=jnp.float32)
    r_indices = jax.random.randint(k2, (N_EDGES,), 0, N_NODES, dtype=jnp.int64)
    c_indices = jax.random.randint(k3, (N_EDGES,), 0, N_NODES, dtype=jnp.int64)
    # learned parameter: w ~ Uniform(-1, 1) of shape [d_feat, 1] (use_bias=False, dropout=0.0)
    w = jax.random.uniform(k4, (D_FEAT, 1), dtype=jnp.float32, minval=-1.0, maxval=1.0)
    return {"node_features": node_features, "r_indices": r_indices, "c_indices": c_indices, "w": w}

def reference(node_features, r_indices, c_indices, w):
    # dropout_rate=0.0 -> dropout is identity (inference behavior)
    row_inputs = jnp.take(node_features, r_indices.astype(jnp.int32), axis=0)
    col_inputs = jnp.take(node_features, c_indices.astype(jnp.int32), axis=0)
    diff = jnp.abs(row_inputs - col_inputs)
    outputs = diff @ w
    return jnp.squeeze(outputs, axis=-1)

if __name__ == "__main__":
    import jax
    _d = setup_inputs()
    print(jax.jit(kernel)(*tuple(_d.values())))

</pallas_src>

<mosaic_0001>
#map = affine_map<(d0, d1) -> (0, 0)>
#map1 = affine_map<(d0, d1) -> (0, 0, 0)>
#map2 = affine_map<(d0, d1) -> (0)>
module attributes {stable_mosaic.version = 14 : i64} {
  func.func @_decoder_sc(%arg0: i32, %arg1: i32, %arg2: memref<10000x64xf32, #tpu.memory_space<hbm>>, %arg3: memref<32x125x80xi32, #tpu.memory_space<hbm>>, %arg4: memref<32x125x80xi32, #tpu.memory_space<hbm>>, %arg5: memref<64x32xbf16, #tpu.memory_space<hbm>>, %arg6: memref<320000xf32, #tpu.memory_space<hbm>>, %arg7: memref<125x80xi32, #tpu.memory_space<vmem>>, %arg8: memref<125x80xi32, #tpu.memory_space<vmem>>, %arg9: memref<80x64xf32, #tpu.memory_space<vmem>>, %arg10: memref<80x64xf32, #tpu.memory_space<vmem>>, %arg11: memref<80x64xf32, #tpu.memory_space<vmem>>, %arg12: memref<80x64xf32, #tpu.memory_space<vmem>>, %arg13: memref<64x32xbf16, #tpu.memory_space<vmem>>, %arg14: memref<10000xf32, #tpu.memory_space<vmem>>, %arg15: memref<200x64xf32, #tpu.memory_space<vmem>>, %arg16: memref<10000x64xf32, #tpu.memory_space<vmem_shared>>, %arg17: memref<2x!tpu.dma_semaphore, #tpu.memory_space<semaphore_mem>>, %arg18: memref<2x!tpu.dma_semaphore, #tpu.memory_space<semaphore_mem>>) attributes {dimension_semantics = [#tpu.dimension_semantics<core_parallel>, #tpu.dimension_semantics<subcore_parallel>], iteration_bounds = array<i64: 2, 16>, scalar_prefetch = 0 : i64, scratch_operands = 12 : i64, tpu.core_type = #tpu.core_type<sc_vector_subcore>, window_params = [{transform_indices = #map}, {transform_indices = #map1}, {transform_indices = #map1}, {transform_indices = #map}, {transform_indices = #map2}]} {
    %mul3A = arith.constant 2 : i32
    %mul3A_0 = arith.muli %arg1, %mul3A : i32
    %add3A = arith.addi %mul3A_0, %arg0 : i32
    "tpu.region"() ({
      %run_scoped3A = tpu.sem_alloc : memref<!tpu.dma_semaphore, #tpu.memory_space<semaphore_mem>>
      tpu.enqueue_dma source(%arg5 : memref<64x32xbf16, #tpu.memory_space<hbm>>) target(%arg13 : memref<64x32xbf16, #tpu.memory_space<vmem>>) target_semaphore(%run_scoped3A : memref<!tpu.dma_semaphore, #tpu.memory_space<semaphore_mem>>)
      tpu.wait_dma2 semaphore(%run_scoped3A : memref<!tpu.dma_semaphore, #tpu.memory_space<semaphore_mem>>) src(%arg5 : memref<64x32xbf16, #tpu.memory_space<hbm>>) dst(%arg13 : memref<64x32xbf16, #tpu.memory_space<vmem>>)
      tpu.yield
    }) : () -> ()
    "tpu.region"() ({
      %run_scoped3A = tpu.sem_alloc : memref<!tpu.dma_semaphore, #tpu.memory_space<semaphore_mem>>
      %dma_start3A_94 = arith.constant 0 : i32
      %dma_start3A_95 = arith.constant 0 : i32
      %dma_start3A_96 = tpu.memref_slice %arg3[%add3A, %dma_start3A_94, %dma_start3A_95] : memref<32x125x80xi32, #tpu.memory_space<hbm>> -> memref<1x125x80xi32, #tpu.memory_space<hbm>>
      %dma_start3A_97 = tpu.memref_squeeze %dma_start3A_96 : memref<1x125x80xi32, #tpu.memory_space<hbm>> -> memref<125x80xi32, #tpu.memory_space<hbm>>
      %dma_start3A_98 = arith.constant 0 : i32
      %dma_start3A_99 = arith.constant 0 : i32
      %dma_start3A_100 = tpu.memref_slice %arg3[%add3A, %dma_start3A_98, %dma_start3A_99] : memref<32x125x80xi32, #tpu.memory_space<hbm>> -> memref<1x125x80xi32, #tpu.memory_space<hbm>>
      %dma_start3A_101 = tpu.memref_squeeze %dma_start3A_100 : memref<1x125x80xi32, #tpu.memory_space<hbm>> -> memref<125x80xi32, #tpu.memory_space<hbm>>
      tpu.enqueue_dma source(%dma_start3A_101 : memref<125x80xi32, #tpu.memory_space<hbm>>) target(%arg7 : memref<125x80xi32, #tpu.memory_space<vmem>>) target_semaphore(%run_scoped3A : memref<!tpu.dma_semaphore, #tpu.memory_space<semaphore_mem>>)
      %dma_wait3A_102 = arith.constant 0 : i32
      %dma_wait3A_103 = arith.constant 0 : i32
      %dma_wait3A_104 = tpu.memref_slice %arg3[%add3A, %dma_wait3A_102, %dma_wait3A_103] : memref<32x125x80xi32, #tpu.memory_space<hbm>> -> memref<1x125x80xi32, #tpu.memory_space<hbm>>
      %dma_wait3A_105 = tpu.memref_squeeze %dma_wait3A_104 : memref<1x125x80xi32, #tpu.memory_space<hbm>> -> memref<125x80xi32, #tpu.memory_space<hbm>>
      %dma_wait3A_106 = arith.constant 0 : i32
      %dma_wait3A_107 = arith.constant 0 : i32
      %dma_wait3A_108 = tpu.memref_slice %arg3[%add3A, %dma_wait3A_106, %dma_wait3A_107] : memref<32x125x80xi32, #tpu.memory_space<hbm>> -> memref<1x125x80xi32, #tpu.memory_space<hbm>>
      %dma_wait3A_109 = tpu.memref_squeeze %dma_wait3A_108 : memref<1x125x80xi32, #tpu.memory_space<hbm>> -> memref<125x80xi32, #tpu.memory_space<hbm>>
      tpu.wait_dma2 semaphore(%run_scoped3A : memref<!tpu.dma_semaphore, #tpu.memory_space<semaphore_mem>>) src(%dma_wait3A_109 : memref<125x80xi32, #tpu.memory_space<hbm>>) dst(%arg7 : memref<125x80xi32, #tpu.memory_space<vmem>>)
      tpu.yield
    }) : () -> ()
    "tpu.region"() ({
      %run_scoped3A = tpu.sem_alloc : memref<!tpu.dma_semaphore, #tpu.memory_space<semaphore_mem>>
      %dma_start3A_94 = arith.constant 0 : i32
      %dma_start3A_95 = arith.constant 0 : i32
      %dma_start3A_96 = tpu.memref_slice %arg4[%add3A, %dma_start3A_94, %dma_start3A_95] : memref<32x125x80xi32, #tpu.memory_space<hbm>> -> memref<1x125x80xi32, #tpu.memory_space<hbm>>
      %dma_start3A_97 = tpu.memref_squeeze %dma_start3A_96 : memref<1x125x80xi32, #tpu.memory_space<hbm>> -> memref<125x80xi32, #tpu.memory_space<hbm>>
      %dma_start3A_98 = arith.constant 0 : i32
      %dma_start3A_99 = arith.constant 0 : i32
      %dma_start3A_100 = tpu.memref_slice %arg4[%add3A, %dma_start3A_98, %dma_start3A_99] : memref<32x125x80xi32, #tpu.memory_space<hbm>> -> memref<1x125x80xi32, #tpu.memory_space<hbm>>
      %dma_start3A_101 = tpu.memref_squeeze %dma_start3A_100 : memref<1x125x80xi32, #tpu.memory_space<hbm>> -> memref<125x80xi32, #tpu.memory_space<hbm>>
      tpu.enqueue_dma source(%dma_start3A_101 : memref<125x80xi32, #tpu.memory_space<hbm>>) target(%arg8 : memref<125x80xi32, #tpu.memory_space<vmem>>) target_semaphore(%run_scoped3A : memref<!tpu.dma_semaphore, #tpu.memory_space<semaphore_mem>>)
      %dma_wait3A_102 = arith.constant 0 : i32
      %dma_wait3A_103 = arith.constant 0 : i32
      %dma_wait3A_104 = tpu.memref_slice %arg4[%add3A, %dma_wait3A_102, %dma_wait3A_103] : memref<32x125x80xi32, #tpu.memory_space<hbm>> -> memref<1x125x80xi32, #tpu.memory_space<hbm>>
      %dma_wait3A_105 = tpu.memref_squeeze %dma_wait3A_104 : memref<1x125x80xi32, #tpu.memory_space<hbm>> -> memref<125x80xi32, #tpu.memory_space<hbm>>
      %dma_wait3A_106 = arith.constant 0 : i32
      %dma_wait3A_107 = arith.constant 0 : i32
      %dma_wait3A_108 = tpu.memref_slice %arg4[%add3A, %dma_wait3A_106, %dma_wait3A_107] : memref<32x125x80xi32, #tpu.memory_space<hbm>> -> memref<1x125x80xi32, #tpu.memory_space<hbm>>
      %dma_wait3A_109 = tpu.memref_squeeze %dma_wait3A_108 : memref<1x125x80xi32, #tpu.memory_space<hbm>> -> memref<125x80xi32, #tpu.memory_space<hbm>>
      tpu.wait_dma2 semaphore(%run_scoped3A : memref<!tpu.dma_semaphore, #tpu.memory_space<semaphore_mem>>) src(%dma_wait3A_109 : memref<125x80xi32, #tpu.memory_space<hbm>>) dst(%arg8 : memref<125x80xi32, #tpu.memory_space<vmem>>)
      tpu.yield
    }) : () -> ()
    %scan3A = arith.constant 0 : i32
    %scan3A_1 = arith.constant 0 : i32
    %scan3A_2 = arith.constant 4 : i32
    %scan3A_3 = arith.addi %scan3A_1, %scan3A_2 : i32
    %scan3A_4 = arith.constant 1 : i32
    scf.for %scan3A_94 = %scan3A_1 to %scan3A_3 step %scan3A_4  : i32 {
      %mul3A_95 = arith.constant 16 : i32
      %mul3A_96 = arith.muli %scan3A_94, %mul3A_95 : i32
      %add3A_97 = arith.addi %arg1, %mul3A_96 : i32
      %lt3A = arith.constant 50 : i32
      %lt3A_98 = arith.cmpi slt, %add3A_97, %lt3A : i32
      %convert_element_type3A = arith.extui %lt3A_98 : i1 to i32
      %cond3A = arith.constant 0 : i32
      %cond3A_99 = arith.cmpi ne, %convert_element_type3A, %cond3A : i32
      scf.if %cond3A_99 {
        %mul3A_100 = arith.constant 200 : i32
        %mul3A_101 = arith.muli %add3A_97, %mul3A_100 : i32
        "tpu.region"() ({
          %run_scoped3A = tpu.sem_alloc : memref<!tpu.dma_semaphore, #tpu.memory_space<semaphore_mem>>
          %dma_start3A_102 = arith.constant 0 : i32
          %dma_start3A_103 = tpu.memref_slice %arg2[%mul3A_101, %dma_start3A_102] : memref<10000x64xf32, #tpu.memory_space<hbm>> -> memref<200x64xf32, #tpu.memory_space<hbm>>
          %dma_start3A_104 = arith.constant 0 : i32
          %dma_start3A_105 = tpu.memref_slice %arg2[%mul3A_101, %dma_start3A_104] : memref<10000x64xf32, #tpu.memory_space<hbm>> -> memref<200x64xf32, #tpu.memory_space<hbm>>
          tpu.enqueue_dma source(%dma_start3A_105 : memref<200x64xf32, #tpu.memory_space<hbm>>) target(%arg15 : memref<200x64xf32, #tpu.memory_space<vmem>>) target_semaphore(%run_scoped3A : memref<!tpu.dma_semaphore, #tpu.memory_space<semaphore_mem>>)
          %dma_wait3A_106 = arith.constant 0 : i32
          %dma_wait3A_107 = tpu.memref_slice %arg2[%mul3A_101, %dma_wait3A_106] : memref<10000x64xf32, #tpu.memory_space<hbm>> -> memref<200x64xf32, #tpu.memory_space<hbm>>
          %dma_wait3A_108 = arith.constant 0 : i32
          %dma_wait3A_109 = tpu.memref_slice %arg2[%mul3A_101, %dma_wait3A_108] : memref<10000x64xf32, #tpu.memory_space<hbm>> -> memref<200x64xf32, #tpu.memory_space<hbm>>
          tpu.wait_dma2 semaphore(%run_scoped3A : memref<!tpu.dma_semaphore, #tpu.memory_space<semaphore_mem>>) src(%dma_wait3A_109 : memref<200x64xf32, #tpu.memory_space<hbm>>) dst(%arg15 : memref<200x64xf32, #tpu.memory_space<vmem>>)
          tpu.yield
        }) : () -> ()
        "tpu.region"() ({
          %run_scoped3A = tpu.sem_alloc : memref<!tpu.dma_semaphore, #tpu.memory_space<semaphore_mem>>
          %dma_start3A_102 = arith.constant 0 : i32
          %dma_start3A_103 = tpu.memref_slice %arg16[%mul3A_101, %dma_start3A_102] : memref<10000x64xf32, #tpu.memory_space<vmem_shared>> -> memref<200x64xf32, #tpu.memory_space<vmem_shared>>
          %dma_start3A_104 = arith.constant 0 : i32
          %dma_start3A_105 = tpu.memref_slice %arg16[%mul3A_101, %dma_start3A_104] : memref<10000x64xf32, #tpu.memory_space<vmem_shared>> -> memref<200x64xf32, #tpu.memory_space<vmem_shared>>
          tpu.enqueue_dma source(%arg15 : memref<200x64xf32, #tpu.memory_space<vmem>>) target(%dma_start3A_105 : memref<200x64xf32, #tpu.memory_space<vmem_shared>>) target_semaphore(%run_scoped3A : memref<!tpu.dma_semaphore, #tpu.memory_space<semaphore_mem>>)
          %dma_wait3A_106 = arith.constant 0 : i32
          %dma_wait3A_107 = tpu.memref_slice %arg16[%mul3A_101, %dma_wait3A_106] : memref<10000x64xf32, #tpu.memory_space<vmem_shared>> -> memref<200x64xf32, #tpu.memory_space<vmem_shared>>
          %dma_wait3A_108 = arith.constant 0 : i32
          %dma_wait3A_109 = tpu.memref_slice %arg16[%mul3A_101, %dma_wait3A_108] : memref<10000x64xf32, #tpu.memory_space<vmem_shared>> -> memref<200x64xf32, #tpu.memory_space<vmem_shared>>
          tpu.wait_dma2 semaphore(%run_scoped3A : memref<!tpu.dma_semaphore, #tpu.memory_space<semaphore_mem>>) src(%arg15 : memref<200x64xf32, #tpu.memory_space<vmem>>) dst(%dma_wait3A_109 : memref<200x64xf32, #tpu.memory_space<vmem_shared>>)
          tpu.yield
        }) : () -> ()
      } else {
      }
    }
    %scan3A_5 = arith.constant 4 : i32
    %barrier3A = arith.constant 0 : index
    tpu.barrier barrier_id(%barrier3A)
    %mul3A_6 = arith.constant 10000 : i32
    %mul3A_7 = arith.muli %add3A, %mul3A_6 : i32
    %iota3A = tpu.iota {dimensions = array<i32: 0>} : vector<16xi32>
    %dma_start3A = arith.constant 0 : i32
    %dma_start3A_8 = arith.constant 0 : i32
    %dma_start3A_9 = arith.constant 0 : i32
    %dma_start3A_10 = tpu.memref_slice %arg7[%dma_start3A, %dma_start3A_9] : memref<125x80xi32, #tpu.memory_space<vmem>> -> memref<1x80xi32, #tpu.memory_space<vmem>>
    %dma_start3A_11 = tpu.memref_squeeze %dma_start3A_10 : memref<1x80xi32, #tpu.memory_space<vmem>> -> memref<80xi32, #tpu.memory_space<vmem>>
    %dma_start3A_12 = arith.constant 0 : i32
    %dma_start3A_13 = arith.constant 0 : i32
    %dma_start3A_14 = tpu.memref_slice %arg16[%dma_start3A_12, %dma_start3A_13] : memref<10000x64xf32, #tpu.memory_space<vmem_shared>> -> memref<10000x64xf32, #tpu.memory_space<vmem_shared>>
    %dma_start3A_15 = tpu.memref_slice %arg17[%dma_start3A_8] : memref<2x!tpu.dma_semaphore, #tpu.memory_space<semaphore_mem>> -> memref<1x!tpu.dma_semaphore, #tpu.memory_space<semaphore_mem>>
    %dma_start3A_16 = tpu.memref_squeeze %dma_start3A_15 : memref<1x!tpu.dma_semaphore, #tpu.memory_space<semaphore_mem>> -> memref<!tpu.dma_semaphore, #tpu.memory_space<semaphore_mem>>
    tpu.enqueue_indirect_dma source(%dma_start3A_14 : memref<10000x64xf32, #tpu.memory_space<vmem_shared>>) target(%arg9 : memref<80x64xf32, #tpu.memory_space<vmem>>) offsets(%dma_start3A_11 : memref<80xi32, #tpu.memory_space<vmem>>) semaphore(%dma_start3A_16 : memref<!tpu.dma_semaphore, #tpu.memory_space<semaphore_mem>>)
    %dma_start3A_17 = arith.constant 0 : i32
    %dma_start3A_18 = arith.constant 0 : i32
    %dma_start3A_19 = arith.constant 0 : i32
    %dma_start3A_20 = tpu.memref_slice %arg8[%dma_start3A_17, %dma_start3A_19] : memref<125x80xi32, #tpu.memory_space<vmem>> -> memref<1x80xi32, #tpu.memory_space<vmem>>
    %dma_start3A_21 = tpu.memref_squeeze %dma_start3A_20 : memref<1x80xi32, #tpu.memory_space<vmem>> -> memref<80xi32, #tpu.memory_space<vmem>>
    %dma_start3A_22 = arith.constant 0 : i32
    %dma_start3A_23 = arith.constant 0 : i32
    %dma_start3A_24 = tpu.memref_slice %arg16[%dma_start3A_22, %dma_start3A_23] : memref<10000x64xf32, #tpu.memory_space<vmem_shared>> -> memref<10000x64xf32, #tpu.memory_space<vmem_shared>>
    %dma_start3A_25 = tpu.memref_slice %arg18[%dma_start3A_18] : memref<2x!tpu.dma_semaphore, #tpu.memory_space<semaphore_mem>> -> memref<1x!tpu.dma_semaphore, #tpu.memory_space<semaphore_mem>>
    %dma_start3A_26 = tpu.memref_squeeze %dma_start3A_25 : memref<1x!tpu.dma_semaphore, #tpu.memory_space<semaphore_mem>> -> memref<!tpu.dma_semaphore, #tpu.memory_space<semaphore_mem>>
    tpu.enqueue_indirect_dma source(%dma_start3A_24 : memref<10000x64xf32, #tpu.memory_space<vmem_shared>>) target(%arg11 : memref<80x64xf32, #tpu.memory_space<vmem>>) offsets(%dma_start3A_21 : memref<80xi32, #tpu.memory_space<vmem>>) semaphore(%dma_start3A_26 : memref<!tpu.dma_semaphore, #tpu.memory_space<semaphore_mem>>)
    %scan3A_27 = arith.constant 0 : i32
    %scan3A_28 = arith.constant 0 : i32
    %scan3A_29 = arith.constant 62 : i32
    %scan3A_30 = arith.addi %scan3A_28, %scan3A_29 : i32
    %scan3A_31 = arith.constant 1 : i32
    scf.for %scan3A_94 = %scan3A_28 to %scan3A_30 step %scan3A_31  : i32 {
      %mul3A_95 = arith.constant 2 : i32
      %mul3A_96 = arith.muli %mul3A_95, %scan3A_94 : i32
      %add3A_97 = arith.constant 1 : i32
      %add3A_98 = arith.addi %mul3A_96, %add3A_97 : i32
      %dma_start3A_99 = arith.constant 1 : i32
      %dma_start3A_100 = arith.constant 0 : i32
      %dma_start3A_101 = tpu.memref_slice %arg7[%add3A_98, %dma_start3A_100] : memref<125x80xi32, #tpu.memory_space<vmem>> -> memref<1x80xi32, #tpu.memory_space<vmem>>
      %dma_start3A_102 = tpu.memref_squeeze %dma_start3A_101 : memref<1x80xi32, #tpu.memory_space<vmem>> -> memref<80xi32, #tpu.memory_space<vmem>>
      %dma_start3A_103 = arith.constant 0 : i32
      %dma_start3A_104 = arith.constant 0 : i32
      %dma_start3A_105 = tpu.memref_slice %arg16[%dma_start3A_103, %dma_start3A_104] : memref<10000x64xf32, #tpu.memory_space<vmem_shared>> -> memref<10000x64xf32, #tpu.memory_space<vmem_shared>>
      %dma_start3A_106 = tpu.memref_slice %arg17[%dma_start3A_99] : memref<2x!tpu.dma_semaphore, #tpu.memory_space<semaphore_mem>> -> memref<1x!tpu.dma_semaphore, #tpu.memory_space<semaphore_mem>>
      %dma_start3A_107 = tpu.memref_squeeze %dma_start3A_106 : memref<1x!tpu.dma_semaphore, #tpu.memory_space<semaphore_mem>> -> memref<!tpu.dma_semaphore, #tpu.memory_space<semaphore_mem>>
      tpu.enqueue_indirect_dma source(%dma_start3A_105 : memref<10000x64xf32, #tpu.memory_space<vmem_shared>>) target(%arg10 : memref<80x64xf32, #tpu.memory_space<vmem>>) offsets(%dma_start3A_102 : memref<80xi32, #tpu.memory_space<vmem>>) semaphore(%dma_start3A_107 : memref<!tpu.dma_semaphore, #tpu.memory_space<semaphore_mem>>)
      %dma_start3A_108 = arith.constant 1 : i32
      %dma_start3A_109 = arith.constant 0 : i32
      %dma_start3A_110 = tpu.memref_slice %arg8[%add3A_98, %dma_start3A_109] : memref<125x80xi32, #tpu.memory_space<vmem>> -> memref<1x80xi32, #tpu.memory_space<vmem>>
      %dma_start3A_111 = tpu.memref_squeeze %dma_start3A_110 : memref<1x80xi32, #tpu.memory_space<vmem>> -> memref<80xi32, #tpu.memory_space<vmem>>
      %dma_start3A_112 = arith.constant 0 : i32
      %dma_start3A_113 = arith.constant 0 : i32
      %dma_start3A_114 = tpu.memref_slice %arg16[%dma_start3A_112, %dma_start3A_113] : memref<10000x64xf32, #tpu.memory_space<vmem_shared>> -> memref<10000x64xf32, #tpu.memory_space<vmem_shared>>
      %dma_start3A_115 = tpu.memref_slice %arg18[%dma_start3A_108] : memref<2x!tpu.dma_semaphore, #tpu.memory_space<semaphore_mem>> -> memref<1x!tpu.dma_semaphore, #tpu.memory_space<semaphore_mem>>
      %dma_start3A_116 = tpu.memref_squeeze %dma_start3A_115 : memref<1x!tpu.dma_semaphore, #tpu.memory_space<semaphore_mem>> -> memref<!tpu.dma_semaphore, #tpu.memory_space<semaphore_mem>>
      tpu.enqueue_indirect_dma source(%dma_start3A_114 : memref<10000x64xf32, #tpu.memory_space<vmem_shared>>) target(%arg12 : memref<80x64xf32, #tpu.memory_space<vmem>>) offsets(%dma_start3A_111 : memref<80xi32, #tpu.memory_space<vmem>>) semaphore(%dma_start3A_116 : memref<!tpu.dma_semaphore, #tpu.memory_space<semaphore_mem>>)
      %dma_wait3A_117 = arith.constant 0 : i32
      %dma_wait3A_118 = arith.constant 0 : i32
      %dma_wait3A_119 = tpu.memref_slice %arg7[%mul3A_96, %dma_wait3A_118] : memref<125x80xi32, #tpu.memory_space<vmem>> -> memref<1x80xi32, #tpu.memory_space<vmem>>
      %dma_wait3A_120 = tpu.memref_squeeze %dma_wait3A_119 : memref<1x80xi32, #tpu.memory_space<vmem>> -> memref<80xi32, #tpu.memory_space<vmem>>
      %dma_wait3A_121 = arith.constant 0 : i32
      %dma_wait3A_122 = arith.constant 0 : i32
      %dma_wait3A_123 = tpu.memref_slice %arg16[%dma_wait3A_121, %dma_wait3A_122] : memref<10000x64xf32, #tpu.memory_space<vmem_shared>> -> memref<10000x64xf32, #tpu.memory_space<vmem_shared>>
      %dma_wait3A_124 = tpu.memref_slice %arg17[%dma_wait3A_117] : memref<2x!tpu.dma_semaphore, #tpu.memory_space<semaphore_mem>> -> memref<1x!tpu.dma_semaphore, #tpu.memory_space<semaphore_mem>>
      %dma_wait3A_125 = tpu.memref_squeeze %dma_wait3A_124 : memref<1x!tpu.dma_semaphore, #tpu.memory_space<semaphore_mem>> -> memref<!tpu.dma_semaphore, #tpu.memory_space<semaphore_mem>>
      tpu.wait_indirect_dma semaphore(%dma_wait3A_125 : memref<!tpu.dma_semaphore, #tpu.memory_space<semaphore_mem>>) src(%dma_wait3A_123 : memref<10000x64xf32, #tpu.memory_space<vmem_shared>>) dst(%arg9 : memref<80x64xf32, #tpu.memory_space<vmem>>)
      %dma_wait3A_126 = arith.constant 0 : i32
      %dma_wait3A_127 = arith.constant 0 : i32
      %dma_wait3A_128 = tpu.memref_slice %arg8[%mul3A_96, %dma_wait3A_127] : memref<125x80xi32, #tpu.memory_space<vmem>> -> memref<1x80xi32, #tpu.memory_space<vmem>>
      %dma_wait3A_129 = tpu.memref_squeeze %dma_wait3A_128 : memref<1x80xi32, #tpu.memory_space<vmem>> -> memref<80xi32, #tpu.memory_space<vmem>>
      %dma_wait3A_130 = arith.constant 0 : i32
      %dma_wait3A_131 = arith.constant 0 : i32
      %dma_wait3A_132 = tpu.memref_slice %arg16[%dma_wait3A_130, %dma_wait3A_131] : memref<10000x64xf32, #tpu.memory_space<vmem_shared>> -> memref<10000x64xf32, #tpu.memory_space<vmem_shared>>
      %dma_wait3A_133 = tpu.memref_slice %arg18[%dma_wait3A_126] : memref<2x!tpu.dma_semaphore, #tpu.memory_space<semaphore_mem>> -> memref<1x!tpu.dma_semaphore, #tpu.memory_space<semaphore_mem>>
      %dma_wait3A_134 = tpu.memref_squeeze %dma_wait3A_133 : memref<1x!tpu.dma_semaphore, #tpu.memory_space<semaphore_mem>> -> memref<!tpu.dma_semaphore, #tpu.memory_space<semaphore_mem>>
      tpu.wait_indirect_dma semaphore(%dma_wait3A_134 : memref<!tpu.dma_semaphore, #tpu.memory_space<semaphore_mem>>) src(%dma_wait3A_132 : memref<10000x64xf32, #tpu.memory_space<vmem_shared>>) dst(%arg11 : memref<80x64xf32, #tpu.memory_space<vmem>>)
      %add3A_135 = arith.constant 0 : i32
      %add3A_136 = vector.broadcast %add3A_135 : i32 to vector<16xi32>
      %add3A_137 = arith.addi %iota3A, %add3A_136 : vector<16xi32>
      %add3A_138 = arith.constant 16 : i32
      %add3A_139 = vector.broadcast %add3A_138 : i32 to vector<16xi32>
      %add3A_140 = arith.addi %iota3A, %add3A_139 : vector<16xi32>
      %add3A_141 = arith.constant 32 : i32
      %add3A_142 = vector.broadcast %add3A_141 : i32 to vector<16xi32>
      %add3A_143 = arith.addi %iota3A, %add3A_142 : vector<16xi32>
      %add3A_144 = arith.constant 48 : i32
      %add3A_145 = vector.broadcast %add3A_144 : i32 to vector<16xi32>
      %add3A_146 = arith.addi %iota3A, %add3A_145 : vector<16xi32>
      %add3A_147 = arith.constant 64 : i32
      %add3A_148 = vector.broadcast %add3A_147 : i32 to vector<16xi32>
      %add3A_149 = arith.addi %iota3A, %add3A_148 : vector<16xi32>
      %broadcast_in_dim3A_150 = arith.constant 0.000000e+00 : f32
      %broadcast_in_dim3A_151 = vector.broadcast %broadcast_in_dim3A_150 : f32 to vector<16xf32>
      %scan3A_152 = arith.constant 0 : i32
      %scan3A_153 = arith.constant 64 : i32
      %scan3A_154 = arith.addi %scan3A_152, %scan3A_153 : i32
      %scan3A_155 = arith.constant 1 : i32
      %scan3A_156:10 = scf.for %scan3A_273 = %scan3A_152 to %scan3A_154 step %scan3A_155 iter_args(%scan3A_274 = %broadcast_in_dim3A_151, %scan3A_275 = %broadcast_in_dim3A_151, %scan3A_276 = %broadcast_in_dim3A_151, %scan3A_277 = %broadcast_in_dim3A_151, %scan3A_278 = %broadcast_in_dim3A_151, %scan3A_279 = %broadcast_in_dim3A_151, %scan3A_280 = %broadcast_in_dim3A_151, %scan3A_281 = %broadcast_in_dim3A_151, %scan3A_282 = %broadcast_in_dim3A_151, %scan3A_283 = %broadcast_in_dim3A_151) -> (vector<16xf32>, vector<16xf32>, vector<16xf32>, vector<16xf32>, vector<16xf32>, vector<16xf32>, vector<16xf32>, vector<16xf32>, vector<16xf32>, vector<16xf32>)  : i32 {
        %get3A = arith.index_cast %scan3A_273 : i32 to index
        %get3A_284 = arith.constant 0 : index
        %get3A_285 = tpu.vector_load %arg13[%get3A, %get3A_284] {strides = array<i32>} : memref<64x32xbf16, #tpu.memory_space<vmem>>, vector<32xbf16>,
        %broadcast_in_dim3A_286 = vector.broadcast %scan3A_273 : i32 to vector<16xi32>
        %add3A_287 = arith.addi %broadcast_in_dim3A_286, %iota3A : vector<16xi32>
        %and3A = arith.constant 63 : i32
        %and3A_288 = vector.broadcast %and3A : i32 to vector<16xi32>
        %and3A_289 = arith.andi %add3A_287, %and3A_288 : vector<16xi32>
        %gather3A = tpu.vector_load_idx %arg9[%add3A_137, %and3A_289] : memref<80x64xf32, #tpu.memory_space<vmem>>[vector<16xi32>, vector<16xi32>], vector<16xf32>,
        %gather3A_290 = tpu.vector_load_idx %arg11[%add3A_137, %and3A_289] : memref<80x64xf32, #tpu.memory_space<vmem>>[vector<16xi32>, vector<16xi32>], vector<16xf32>,
        %bitcast3A = vector.bitcast %gather3A : vector<16xf32> to vector<32xbf16>
        %bitcast3A_291 = vector.bitcast %gather3A_290 : vector<16xf32> to vector<32xbf16>
        %sub3A = arith.subf %bitcast3A, %bitcast3A_291 : vector<32xbf16>
        %abs3A = math.absf %sub3A : vector<32xbf16>
        %mul3A_292 = arith.mulf %abs3A, %get3A_285 : vector<32xbf16>
        %unpack3A = tpu.unpack_subelements %mul3A_292, 0 {pack_format = #tpu.pack_format<interleaved>} : vector<32xbf16> -> vector<16xf32>
        %unpack3A_293 = tpu.unpack_subelements %mul3A_292, 1 {pack_format = #tpu.pack_format<interleaved>} : vector<32xbf16> -> vector<16xf32>
        %add3A_294 = arith.addf %scan3A_274, %unpack3A : vector<16xf32>
        %add3A_295 = arith.addf %scan3A_275, %unpack3A_293 : vector<16xf32>
        %gather3A_296 = tpu.vector_load_idx %arg9[%add3A_140, %and3A_289] : memref<80x64xf32, #tpu.memory_space<vmem>>[vector<16xi32>, vector<16xi32>], vector<16xf32>,
        %gather3A_297 = tpu.vector_load_idx %arg11[%add3A_140, %and3A_289] : memref<80x64xf32, #tpu.memory_space<vmem>>[vector<16xi32>, vector<16xi32>], vector<16xf32>,
        %bitcast3A_298 = vector.bitcast %gather3A_296 : vector<16xf32> to vector<32xbf16>
        %bitcast3A_299 = vector.bitcast %gather3A_297 : vector<16xf32> to vector<32xbf16>
        %sub3A_300 = arith.subf %bitcast3A_298, %bitcast3A_299 : vector<32xbf16>
        %abs3A_301 = math.absf %sub3A_300 : vector<32xbf16>
        %mul3A_302 = arith.mulf %abs3A_301, %get3A_285 : vector<32xbf16>
        %unpack3A_303 = tpu.unpack_subelements %mul3A_302, 0 {pack_format = #tpu.pack_format<interleaved>} : vector<32xbf16> -> vector<16xf32>
        %unpack3A_304 = tpu.unpack_subelements %mul3A_302, 1 {pack_format = #tpu.pack_format<interleaved>} : vector<32xbf16> -> vector<16xf32>
        %add3A_305 = arith.addf %scan3A_276, %unpack3A_303 : vector<16xf32>
        %add3A_306 = arith.addf %scan3A_277, %unpack3A_304 : vector<16xf32>
        %gather3A_307 = tpu.vector_load_idx %arg9[%add3A_143, %and3A_289] : memref<80x64xf32, #tpu.memory_space<vmem>>[vector<16xi32>, vector<16xi32>], vector<16xf32>,
        %gather3A_308 = tpu.vector_load_idx %arg11[%add3A_143, %and3A_289] : memref<80x64xf32, #tpu.memory_space<vmem>>[vector<16xi32>, vector<16xi32>], vector<16xf32>,
        %bitcast3A_309 = vector.bitcast %gather3A_307 : vector<16xf32> to vector<32xbf16>
        %bitcast3A_310 = vector.bitcast %gather3A_308 : vector<16xf32> to vector<32xbf16>
        %sub3A_311 = arith.subf %bitcast3A_309, %bitcast3A_310 : vector<32xbf16>
        %abs3A_312 = math.absf %sub3A_311 : vector<32xbf16>
        %mul3A_313 = arith.mulf %abs3A_312, %get3A_285 : vector<32xbf16>
        %unpack3A_314 = tpu.unpack_subelements %mul3A_313, 0 {pack_format = #tpu.pack_format<interleaved>} : vector<32xbf16> -> vector<16xf32>
        %unpack3A_315 = tpu.unpack_subelements %mul3A_313, 1 {pack_format = #tpu.pack_format<interleaved>} : vector<32xbf16> -> vector<16xf32>
        %add3A_316 = arith.addf %scan3A_278, %unpack3A_314 : vector<16xf32>
        %add3A_317 = arith.addf %scan3A_279, %unpack3A_315 : vector<16xf32>
        %gather3A_318 = tpu.vector_load_idx %arg9[%add3A_146, %and3A_289] : memref<80x64xf32, #tpu.memory_space<vmem>>[vector<16xi32>, vector<16xi32>], vector<16xf32>,
        %gather3A_319 = tpu.vector_load_idx %arg11[%add3A_146, %and3A_289] : memref<80x64xf32, #tpu.memory_space<vmem>>[vector<16xi32>, vector<16xi32>], vector<16xf32>,
        %bitcast3A_320 = vector.bitcast %gather3A_318 : vector<16xf32> to vector<32xbf16>
        %bitcast3A_321 = vector.bitcast %gather3A_319 : vector<16xf32> to vector<32xbf16>
        %sub3A_322 = arith.subf %bitcast3A_320, %bitcast3A_321 : vector<32xbf16>
        %abs3A_323 = math.absf %sub3A_322 : vector<32xbf16>
        %mul3A_324 = arith.mulf %abs3A_323, %get3A_285 : vector<32xbf16>
        %unpack3A_325 = tpu.unpack_subelements %mul3A_324, 0 {pack_format = #tpu.pack_format<interleaved>} : vector<32xbf16> -> vector<16xf32>
        %unpack3A_326 = tpu.unpack_subelements %mul3A_324, 1 {pack_format = #tpu.pack_format<interleaved>} : vector<32xbf16> -> vector<16xf32>
        %add3A_327 = arith.addf %scan3A_280, %unpack3A_325 : vector<16xf32>
        %add3A_328 = arith.addf %scan3A_281, %unpack3A_326 : vector<16xf32>
        %gather3A_329 = tpu.vector_load_idx %arg9[%add3A_149, %and3A_289] : memref<80x64xf32, #tpu.memory_space<vmem>>[vector<16xi32>, vector<16xi32>], vector<16xf32>,
        %gather3A_330 = tpu.vector_load_idx %arg11[%add3A_149, %and3A_289] : memref<80x64xf32, #tpu.memory_space<vmem>>[vector<16xi32>, vector<16xi32>], vector<16xf32>,
        %bitcast3A_331 = vector.bitcast %gather3A_329 : vector<16xf32> to vector<32xbf16>
        %bitcast3A_332 = vector.bitcast %gather3A_330 : vector<16xf32> to vector<32xbf16>
        %sub3A_333 = arith.subf %bitcast3A_331, %bitcast3A_332 : vector<32xbf16>
        %abs3A_334 = math.absf %sub3A_333 : vector<32xbf16>
        %mul3A_335 = arith.mulf %abs3A_334, %get3A_285 : vector<32xbf16>
        %unpack3A_336 = tpu.unpack_subelements %mul3A_335, 0 {pack_format = #tpu.pack_format<interleaved>} : vector<32xbf16> -> vector<16xf32>
        %unpack3A_337 = tpu.unpack_subelements %mul3A_335, 1 {pack_format = #tpu.pack_format<interleaved>} : vector<32xbf16> -> vector<16xf32>
        %add3A_338 = arith.addf %scan3A_282, %unpack3A_336 : vector<16xf32>
        %add3A_339 = arith.addf %scan3A_283, %unpack3A_337 : vector<16xf32>
        scf.yield %add3A_294, %add3A_295, %add3A_305, %add3A_306, %add3A_316, %add3A_317, %add3A_327, %add3A_328, %add3A_338, %add3A_339 : vector<16xf32>, vector<16xf32>, vector<16xf32>, vector<16xf32>, vector<16xf32>, vector<16xf32>, vector<16xf32>, vector<16xf32>, vector<16xf32>, vector<16xf32>
      }
      %scan3A_157 = arith.constant 64 : i32
      %mul3A_158 = arith.constant 80 : i32
      %mul3A_159 = arith.muli %mul3A_96, %mul3A_158 : i32
      %add3A_160 = vector.broadcast %mul3A_159 : i32 to vector<16xi32>
      %add3A_161 = arith.addi %add3A_137, %add3A_160 : vector<16xi32>
      %add3A_162 = arith.addf %scan3A_156#0, %scan3A_156#1 : vector<16xf32>
      tpu.vector_store_idx %arg14[%add3A_161], %add3A_162 : memref<10000xf32, #tpu.memory_space<vmem>>[vector<16xi32>], vector<16xf32>,
      %mul3A_163 = arith.constant 80 : i32
      %mul3A_164 = arith.muli %mul3A_96, %mul3A_163 : i32
      %add3A_165 = vector.broadcast %mul3A_164 : i32 to vector<16xi32>
      %add3A_166 = arith.addi %add3A_140, %add3A_165 : vector<16xi32>
      %add3A_167 = arith.addf %scan3A_156#2, %scan3A_156#3 : vector<16xf32>
      tpu.vector_store_idx %arg14[%add3A_166], %add3A_167 : memref<10000xf32, #tpu.memory_space<vmem>>[vector<16xi32>], vector<16xf32>,
      %mul3A_168 = arith.constant 80 : i32
      %mul3A_169 = arith.muli %mul3A_96, %mul3A_168 : i32
      %add3A_170 = vector.broadcast %mul3A_169 : i32 to vector<16xi32>
      %add3A_171 = arith.addi %add3A_143, %add3A_170 : vector<16xi32>
      %add3A_172 = arith.addf %scan3A_156#4, %scan3A_156#5 : vector<16xf32>
      tpu.vector_store_idx %arg14[%add3A_171], %add3A_172 : memref<10000xf32, #tpu.memory_space<vmem>>[vector<16xi32>], vector<16xf32>,
      %mul3A_173 = arith.constant 80 : i32
      %mul3A_174 = arith.muli %mul3A_96, %mul3A_173 : i32
      %add3A_175 = vector.broadcast %mul3A_174 : i32 to vector<16xi32>
      %add3A_176 = arith.addi %add3A_146, %add3A_175 : vector<16xi32>
      %add3A_177 = arith.addf %scan3A_156#6, %scan3A_156#7 : vector<16xf32>
      tpu.vector_store_idx %arg14[%add3A_176], %add3A_177 : memref<10000xf32, #tpu.memory_space<vmem>>[vector<16xi32>], vector<16xf32>,
      %mul3A_178 = arith.constant 80 : i32
      %mul3A_179 = arith.muli %mul3A_96, %mul3A_178 : i32
      %add3A_180 = vector.broadcast %mul3A_179 : i32 to vector<16xi32>
      %add3A_181 = arith.addi %add3A_149, %add3A_180 : vector<16xi32>
      %add3A_182 = arith.addf %scan3A_156#8, %scan3A_156#9 : vector<16xf32>
      tpu.vector_store_idx %arg14[%add3A_181], %add3A_182 : memref<10000xf32, #tpu.memory_space<vmem>>[vector<16xi32>], vector<16xf32>,
      %add3A_183 = arith.constant 2 : i32
      %add3A_184 = arith.addi %mul3A_96, %add3A_183 : i32
      %dma_start3A_185 = arith.constant 0 : i32
      %dma_start3A_186 = arith.constant 0 : i32
      %dma_start3A_187 = tpu.memref_slice %arg7[%add3A_184, %dma_start3A_186] : memref<125x80xi32, #tpu.memory_space<vmem>> -> memref<1x80xi32, #tpu.memory_space<vmem>>
      %dma_start3A_188 = tpu.memref_squeeze %dma_start3A_187 : memref<1x80xi32, #tpu.memory_space<vmem>> -> memref<80xi32, #tpu.memory_space<vmem>>
      %dma_start3A_189 = arith.constant 0 : i32
      %dma_start3A_190 = arith.constant 0 : i32
      %dma_start3A_191 = tpu.memref_slice %arg16[%dma_start3A_189, %dma_start3A_190] : memref<10000x64xf32, #tpu.memory_space<vmem_shared>> -> memref<10000x64xf32, #tpu.memory_space<vmem_shared>>
      %dma_start3A_192 = tpu.memref_slice %arg17[%dma_start3A_185] : memref<2x!tpu.dma_semaphore, #tpu.memory_space<semaphore_mem>> -> memref<1x!tpu.dma_semaphore, #tpu.memory_space<semaphore_mem>>
      %dma_start3A_193 = tpu.memref_squeeze %dma_start3A_192 : memref<1x!tpu.dma_semaphore, #tpu.memory_space<semaphore_mem>> -> memref<!tpu.dma_semaphore, #tpu.memory_space<semaphore_mem>>
      tpu.enqueue_indirect_dma source(%dma_start3A_191 : memref<10000x64xf32, #tpu.memory_space<vmem_shared>>) target(%arg9 : memref<80x64xf32, #tpu.memory_space<vmem>>) offsets(%dma_start3A_188 : memref<80xi32, #tpu.memory_space<vmem>>) semaphore(%dma_start3A_193 : memref<!tpu.dma_semaphore, #tpu.memory_space<semaphore_mem>>)
      %dma_start3A_194 = arith.constant 0 : i32
      %dma_start3A_195 = arith.constant 0 : i32
      %dma_start3A_196 = tpu.memref_slice %arg8[%add3A_184, %dma_start3A_195] : memref<125x80xi32, #tpu.memory_space<vmem>> -> memref<1x80xi32, #tpu.memory_space<vmem>>
      %dma_start3A_197 = tpu.memref_squeeze %dma_start3A_196 : memref<1x80xi32, #tpu.memory_space<vmem>> -> memref<80xi32, #tpu.memory_space<vmem>>
      %dma_start3A_198 = arith.constant 0 : i32
      %dma_start3A_199 = arith.constant 0 : i32
      %dma_start3A_200 = tpu.memref_slice %arg16[%dma_start3A_198, %dma_start3A_199] : memref<10000x64xf32, #tpu.memory_space<vmem_shared>> -> memref<10000x64xf32, #tpu.memory_space<vmem_shared>>
      %dma_start3A_201 = tpu.memref_slice %arg18[%dma_start3A_194] : memref<2x!tpu.dma_semaphore, #tpu.memory_space<semaphore_mem>> -> memref<1x!tpu.dma_semaphore, #tpu.memory_space<semaphore_mem>>
      %dma_start3A_202 = tpu.memref_squeeze %dma_start3A_201 : memref<1x!tpu.dma_semaphore, #tpu.memory_space<semaphore_mem>> -> memref<!tpu.dma_semaphore, #tpu.memory_space<semaphore_mem>>
      tpu.enqueue_indirect_dma source(%dma_start3A_200 : memref<10000x64xf32, #tpu.memory_space<vmem_shared>>) target(%arg11 : memref<80x64xf32, #tpu.memory_space<vmem>>) offsets(%dma_start3A_197 : memref<80xi32, #tpu.memory_space<vmem>>) semaphore(%dma_start3A_202 : memref<!tpu.dma_semaphore, #tpu.memory_space<semaphore_mem>>)
      %add3A_203 = arith.constant 1 : i32
      %add3A_204 = arith.addi %mul3A_96, %add3A_203 : i32
      %dma_wait3A_205 = arith.constant 1 : i32
      %dma_wait3A_206 = arith.constant 0 : i32
      %dma_wait3A_207 = tpu.memref_slice %arg7[%add3A_204, %dma_wait3A_206] : memref<125x80xi32, #tpu.memory_space<vmem>> -> memref<1x80xi32, #tpu.memory_space<vmem>>
      %dma_wait3A_208 = tpu.memref_squeeze %dma_wait3A_207 : memref<1x80xi32, #tpu.memory_space<vmem>> -> memref<80xi32, #tpu.memory_space<vmem>>
      %dma_wait3A_209 = arith.constant 0 : i32
      %dma_wait3A_210 = arith.constant 0 : i32
      %dma_wait3A_211 = tpu.memref_slice %arg16[%dma_wait3A_209, %dma_wait3A_210] : memref<10000x64xf32, #tpu.memory_space<vmem_shared>> -> memref<10000x64xf32, #tpu.memory_space<vmem_shared>>
      %dma_wait3A_212 = tpu.memref_slice %arg17[%dma_wait3A_205] : memref<2x!tpu.dma_semaphore, #tpu.memory_space<semaphore_mem>> -> memref<1x!tpu.dma_semaphore, #tpu.memory_space<semaphore_mem>>
      %dma_wait3A_213 = tpu.memref_squeeze %dma_wait3A_212 : memref<1x!tpu.dma_semaphore, #tpu.memory_space<semaphore_mem>> -> memref<!tpu.dma_semaphore, #tpu.memory_space<semaphore_mem>>
      tpu.wait_indirect_dma semaphore(%dma_wait3A_213 : memref<!tpu.dma_semaphore, #tpu.memory_space<semaphore_mem>>) src(%dma_wait3A_211 : memref<10000x64xf32, #tpu.memory_space<vmem_shared>>) dst(%arg10 : memref<80x64xf32, #tpu.memory_space<vmem>>)
      %dma_wait3A_214 = arith.constant 1 : i32
      %dma_wait3A_215 = arith.constant 0 : i32
      %dma_wait3A_216 = tpu.memref_slice %arg8[%add3A_204, %dma_wait3A_215] : memref<125x80xi32, #tpu.memory_space<vmem>> -> memref<1x80xi32, #tpu.memory_space<vmem>>
      %dma_wait3A_217 = tpu.memref_squeeze %dma_wait3A_216 : memref<1x80xi32, #tpu.memory_space<vmem>> -> memref<80xi32, #tpu.memory_space<vmem>>
      %dma_wait3A_218 = arith.constant 0 : i32
      %dma_wait3A_219 = arith.constant 0 : i32
      %dma_wait3A_220 = tpu.memref_slice %arg16[%dma_wait3A_218, %dma_wait3A_219] : memref<10000x64xf32, #tpu.memory_space<vmem_shared>> -> memref<10000x64xf32, #tpu.memory_space<vmem_shared>>
      %dma_wait3A_221 = tpu.memref_slice %arg18[%dma_wait3A_214] : memref<2x!tpu.dma_semaphore, #tpu.memory_space<semaphore_mem>> -> memref<1x!tpu.dma_semaphore, #tpu.memory_space<semaphore_mem>>
      %dma_wait3A_222 = tpu.memref_squeeze %dma_wait3A_221 : memref<1x!tpu.dma_semaphore, #tpu.memory_space<semaphore_mem>> -> memref<!tpu.dma_semaphore, #tpu.memory_space<semaphore_mem>>
      tpu.wait_indirect_dma semaphore(%dma_wait3A_222 : memref<!tpu.dma_semaphore, #tpu.memory_space<semaphore_mem>>) src(%dma_wait3A_220 : memref<10000x64xf32, #tpu.memory_space<vmem_shared>>) dst(%arg12 : memref<80x64xf32, #tpu.memory_space<vmem>>)
      %add3A_223 = arith.constant 1 : i32
      %add3A_224 = arith.addi %mul3A_96, %add3A_223 : i32
      %add3A_225 = arith.constant 0 : i32
      %add3A_226 = vector.broadcast %add3A_225 : i32 to vector<16xi32>
      %add3A_227 = arith.addi %iota3A, %add3A_226 : vector<16xi32>
      %add3A_228 = arith.constant 16 : i32
      %add3A_229 = vector.broadcast %add3A_228 : i32 to vector<16xi32>
      %add3A_230 = arith.addi %iota3A, %add3A_229 : vector<16xi32>
      %add3A_231 = arith.constant 32 : i32
      %add3A_232 = vector.broadcast %add3A_231 : i32 to vector<16xi32>
      %add3A_233 = arith.addi %iota3A, %add3A_232 : vector<16xi32>
      %add3A_234 = arith.constant 48 : i32
      %add3A_235 = vector.broadcast %add3A_234 : i32 to vector<16xi32>
      %add3A_236 = arith.addi %iota3A, %add3A_235 : vector<16xi32>
      %add3A_237 = arith.constant 64 : i32
      %add3A_238 = vector.broadcast %add3A_237 : i32 to vector<16xi32>
      %add3A_239 = arith.addi %iota3A, %add3A_238 : vector<16xi32>
      %broadcast_in_dim3A_240 = arith.constant 0.000000e+00 : f32
      %broadcast_in_dim3A_241 = vector.broadcast %broadcast_in_dim3A_240 : f32 to vector<16xf32>
      %scan3A_242 = arith.constant 0 : i32
      %scan3A_243 = arith.constant 64 : i32
      %scan3A_244 = arith.addi %scan3A_242, %scan3A_243 : i32
      %scan3A_245 = arith.constant 1 : i32
      %scan3A_246:10 = scf.for %scan3A_273 = %scan3A_242 to %scan3A_244 step %scan3A_245 iter_args(%scan3A_274 = %broadcast_in_dim3A_241, %scan3A_275 = %broadcast_in_dim3A_241, %scan3A_276 = %broadcast_in_dim3A_241, %scan3A_277 = %broadcast_in_dim3A_241, %scan3A_278 = %broadcast_in_dim3A_241, %scan3A_279 = %broadcast_in_dim3A_241, %scan3A_280 = %broadcast_in_dim3A_241, %scan3A_281 = %broadcast_in_dim3A_241, %scan3A_282 = %broadcast_in_dim3A_241, %scan3A_283 = %broadcast_in_dim3A_241) -> (vector<16xf32>, vector<16xf32>, vector<16xf32>, vector<16xf32>, vector<16xf32>, vector<16xf32>, vector<16xf32>, vector<16xf32>, vector<16xf32>, vector<16xf32>)  : i32 {
        %get3A = arith.index_cast %scan3A_273 : i32 to index
        %get3A_284 = arith.constant 0 : index
        %get3A_285 = tpu.vector_load %arg13[%get3A, %get3A_284] {strides = array<i32>} : memref<64x32xbf16, #tpu.memory_space<vmem>>, vector<32xbf16>,
        %broadcast_in_dim3A_286 = vector.broadcast %scan3A_273 : i32 to vector<16xi32>
        %add3A_287 = arith.addi %broadcast_in_dim3A_286, %iota3A : vector<16xi32>
        %and3A = arith.constant 63 : i32
        %and3A_288 = vector.broadcast %and3A : i32 to vector<16xi32>
        %and3A_289 = arith.andi %add3A_287, %and3A_288 : vector<16xi32>
        %gather3A = tpu.vector_load_idx %arg10[%add3A_227, %and3A_289] : memref<80x64xf32, #tpu.memory_space<vmem>>[vector<16xi32>, vector<16xi32>], vector<16xf32>,
        %gather3A_290 = tpu.vector_load_idx %arg12[%add3A_227, %and3A_289] : memref<80x64xf32, #tpu.memory_space<vmem>>[vector<16xi32>, vector<16xi32>], vector<16xf32>,
        %bitcast3A = vector.bitcast %gather3A : vector<16xf32> to vector<32xbf16>
        %bitcast3A_291 = vector.bitcast %gather3A_290 : vector<16xf32> to vector<32xbf16>
        %sub3A = arith.subf %bitcast3A, %bitcast3A_291 : vector<32xbf16>
        %abs3A = math.absf %sub3A : vector<32xbf16>
        %mul3A_292 = arith.mulf %abs3A, %get3A_285 : vector<32xbf16>
        %unpack3A = tpu.unpack_subelements %mul3A_292, 0 {pack_format = #tpu.pack_format<interleaved>} : vector<32xbf16> -> vector<16xf32>
        %unpack3A_293 = tpu.unpack_subelements %mul3A_292, 1 {pack_format = #tpu.pack_format<interleaved>} : vector<32xbf16> -> vector<16xf32>
        %add3A_294 = arith.addf %scan3A_274, %unpack3A : vector<16xf32>
        %add3A_295 = arith.addf %scan3A_275, %unpack3A_293 : vector<16xf32>
        %gather3A_296 = tpu.vector_load_idx %arg10[%add3A_230, %and3A_289] : memref<80x64xf32, #tpu.memory_space<vmem>>[vector<16xi32>, vector<16xi32>], vector<16xf32>,
        %gather3A_297 = tpu.vector_load_idx %arg12[%add3A_230, %and3A_289] : memref<80x64xf32, #tpu.memory_space<vmem>>[vector<16xi32>, vector<16xi32>], vector<16xf32>,
        %bitcast3A_298 = vector.bitcast %gather3A_296 : vector<16xf32> to vector<32xbf16>
        %bitcast3A_299 = vector.bitcast %gather3A_297 : vector<16xf32> to vector<32xbf16>
        %sub3A_300 = arith.subf %bitcast3A_298, %bitcast3A_299 : vector<32xbf16>
        %abs3A_301 = math.absf %sub3A_300 : vector<32xbf16>
        %mul3A_302 = arith.mulf %abs3A_301, %get3A_285 : vector<32xbf16>
        %unpack3A_303 = tpu.unpack_subelements %mul3A_302, 0 {pack_format = #tpu.pack_format<interleaved>} : vector<32xbf16> -> vector<16xf32>
        %unpack3A_304 = tpu.unpack_subelements %mul3A_302, 1 {pack_format = #tpu.pack_format<interleaved>} : vector<32xbf16> -> vector<16xf32>
        %add3A_305 = arith.addf %scan3A_276, %unpack3A_303 : vector<16xf32>
        %add3A_306 = arith.addf %scan3A_277, %unpack3A_304 : vector<16xf32>
        %gather3A_307 = tpu.vector_load_idx %arg10[%add3A_233, %and3A_289] : memref<80x64xf32, #tpu.memory_space<vmem>>[vector<16xi32>, vector<16xi32>], vector<16xf32>,
        %gather3A_308 = tpu.vector_load_idx %arg12[%add3A_233, %and3A_289] : memref<80x64xf32, #tpu.memory_space<vmem>>[vector<16xi32>, vector<16xi32>], vector<16xf32>,
        %bitcast3A_309 = vector.bitcast %gather3A_307 : vector<16xf32> to vector<32xbf16>
        %bitcast3A_310 = vector.bitcast %gather3A_308 : vector<16xf32> to vector<32xbf16>
        %sub3A_311 = arith.subf %bitcast3A_309, %bitcast3A_310 : vector<32xbf16>
        %abs3A_312 = math.absf %sub3A_311 : vector<32xbf16>
        %mul3A_313 = arith.mulf %abs3A_312, %get3A_285 : vector<32xbf16>
        %unpack3A_314 = tpu.unpack_subelements %mul3A_313, 0 {pack_format = #tpu.pack_format<interleaved>} : vector<32xbf16> -> vector<16xf32>
        %unpack3A_315 = tpu.unpack_subelements %mul3A_313, 1 {pack_format = #tpu.pack_format<interleaved>} : vector<32xbf16> -> vector<16xf32>
        %add3A_316 = arith.addf %scan3A_278, %unpack3A_314 : vector<16xf32>
        %add3A_317 = arith.addf %scan3A_279, %unpack3A_315 : vector<16xf32>
        %gather3A_318 = tpu.vector_load_idx %arg10[%add3A_236, %and3A_289] : memref<80x64xf32, #tpu.memory_space<vmem>>[vector<16xi32>, vector<16xi32>], vector<16xf32>,
        %gather3A_319 = tpu.vector_load_idx %arg12[%add3A_236, %and3A_289] : memref<80x64xf32, #tpu.memory_space<vmem>>[vector<16xi32>, vector<16xi32>], vector<16xf32>,
        %bitcast3A_320 = vector.bitcast %gather3A_318 : vector<16xf32> to vector<32xbf16>
        %bitcast3A_321 = vector.bitcast %gather3A_319 : vector<16xf32> to vector<32xbf16>
        %sub3A_322 = arith.subf %bitcast3A_320, %bitcast3A_321 : vector<32xbf16>
        %abs3A_323 = math.absf %sub3A_322 : vector<32xbf16>
        %mul3A_324 = arith.mulf %abs3A_323, %get3A_285 : vector<32xbf16>
        %unpack3A_325 = tpu.unpack_subelements %mul3A_324, 0 {pack_format = #tpu.pack_format<interleaved>} : vector<32xbf16> -> vector<16xf32>
        %unpack3A_326 = tpu.unpack_subelements %mul3A_324, 1 {pack_format = #tpu.pack_format<interleaved>} : vector<32xbf16> -> vector<16xf32>
        %add3A_327 = arith.addf %scan3A_280, %unpack3A_325 : vector<16xf32>
        %add3A_328 = arith.addf %scan3A_281, %unpack3A_326 : vector<16xf32>
        %gather3A_329 = tpu.vector_load_idx %arg10[%add3A_239, %and3A_289] : memref<80x64xf32, #tpu.memory_space<vmem>>[vector<16xi32>, vector<16xi32>], vector<16xf32>,
        %gather3A_330 = tpu.vector_load_idx %arg12[%add3A_239, %and3A_289] : memref<80x64xf32, #tpu.memory_space<vmem>>[vector<16xi32>, vector<16xi32>], vector<16xf32>,
        %bitcast3A_331 = vector.bitcast %gather3A_329 : vector<16xf32> to vector<32xbf16>
        %bitcast3A_332 = vector.bitcast %gather3A_330 : vector<16xf32> to vector<32xbf16>
        %sub3A_333 = arith.subf %bitcast3A_331, %bitcast3A_332 : vector<32xbf16>
        %abs3A_334 = math.absf %sub3A_333 : vector<32xbf16>
        %mul3A_335 = arith.mulf %abs3A_334, %get3A_285 : vector<32xbf16>
        %unpack3A_336 = tpu.unpack_subelements %mul3A_335, 0 {pack_format = #tpu.pack_format<interleaved>} : vector<32xbf16> -> vector<16xf32>
        %unpack3A_337 = tpu.unpack_subelements %mul3A_335, 1 {pack_format = #tpu.pack_format<interleaved>} : vector<32xbf16> -> vector<16xf32>
        %add3A_338 = arith.addf %scan3A_282, %unpack3A_336 : vector<16xf32>
        %add3A_339 = arith.addf %scan3A_283, %unpack3A_337 : vector<16xf32>
        scf.yield %add3A_294, %add3A_295, %add3A_305, %add3A_306, %add3A_316, %add3A_317, %add3A_327, %add3A_328, %add3A_338, %add3A_339 : vector<16xf32>, vector<16xf32>, vector<16xf32>, vector<16xf32>, vector<16xf32>, vector<16xf32>, vector<16xf32>, vector<16xf32>, vector<16xf32>, vector<16xf32>
      }
      %scan3A_247 = arith.constant 64 : i32
      %mul3A_248 = arith.constant 80 : i32
      %mul3A_249 = arith.muli %add3A_224, %mul3A_248 : i32
      %add3A_250 = vector.broadcast %mul3A_249 : i32 to vector<16xi32>
      %add3A_251 = arith.addi %add3A_227, %add3A_250 : vector<16xi32>
      %add3A_252 = arith.addf %scan3A_246#0, %scan3A_246#1 : vector<16xf32>
      tpu.vector_store_idx %arg14[%add3A_251], %add3A_252 : memref<10000xf32, #tpu.memory_space<vmem>>[vector<16xi32>], vector<16xf32>,
      %mul3A_253 = arith.constant 80 : i32
      %mul3A_254 = arith.muli %add3A_224, %mul3A_253 : i32
      %add3A_255 = vector.broadcast %mul3A_254 : i32 to vector<16xi32>
      %add3A_256 = arith.addi %add3A_230, %add3A_255 : vector<16xi32>
      %add3A_257 = arith.addf %scan3A_246#2, %scan3A_246#3 : vector<16xf32>
      tpu.vector_store_idx %arg14[%add3A_256], %add3A_257 : memref<10000xf32, #tpu.memory_space<vmem>>[vector<16xi32>], vector<16xf32>,
      %mul3A_258 = arith.constant 80 : i32
      %mul3A_259 = arith.muli %add3A_224, %mul3A_258 : i32
      %add3A_260 = vector.broadcast %mul3A_259 : i32 to vector<16xi32>
      %add3A_261 = arith.addi %add3A_233, %add3A_260 : vector<16xi32>
      %add3A_262 = arith.addf %scan3A_246#4, %scan3A_246#5 : vector<16xf32>
      tpu.vector_store_idx %arg14[%add3A_261], %add3A_262 : memref<10000xf32, #tpu.memory_space<vmem>>[vector<16xi32>], vector<16xf32>,
      %mul3A_263 = arith.constant 80 : i32
      %mul3A_264 = arith.muli %add3A_224, %mul3A_263 : i32
      %add3A_265 = vector.broadcast %mul3A_264 : i32 to vector<16xi32>
      %add3A_266 = arith.addi %add3A_236, %add3A_265 : vector<16xi32>
      %add3A_267 = arith.addf %scan3A_246#6, %scan3A_246#7 : vector<16xf32>
      tpu.vector_store_idx %arg14[%add3A_266], %add3A_267 : memref<10000xf32, #tpu.memory_space<vmem>>[vector<16xi32>], vector<16xf32>,
      %mul3A_268 = arith.constant 80 : i32
      %mul3A_269 = arith.muli %add3A_224, %mul3A_268 : i32
      %add3A_270 = vector.broadcast %mul3A_269 : i32 to vector<16xi32>
      %add3A_271 = arith.addi %add3A_239, %add3A_270 : vector<16xi32>
      %add3A_272 = arith.addf %scan3A_246#8, %scan3A_246#9 : vector<16xf32>
      tpu.vector_store_idx %arg14[%add3A_271], %add3A_272 : memref<10000xf32, #tpu.memory_space<vmem>>[vector<16xi32>], vector<16xf32>,
    }
    %scan3A_32 = arith.constant 62 : i32
    %dma_wait3A = arith.constant 124 : i32
    %dma_wait3A_33 = arith.constant 0 : i32
    %dma_wait3A_34 = arith.constant 0 : i32
    %dma_wait3A_35 = tpu.memref_slice %arg7[%dma_wait3A, %dma_wait3A_34] : memref<125x80xi32, #tpu.memory_space<vmem>> -> memref<1x80xi32, #tpu.memory_space<vmem>>
    %dma_wait3A_36 = tpu.memref_squeeze %dma_wait3A_35 : memref<1x80xi32, #tpu.memory_space<vmem>> -> memref<80xi32, #tpu.memory_space<vmem>>
    %dma_wait3A_37 = arith.constant 0 : i32
    %dma_wait3A_38 = arith.constant 0 : i32
    %dma_wait3A_39 = tpu.memref_slice %arg16[%dma_wait3A_37, %dma_wait3A_38] : memref<10000x64xf32, #tpu.memory_space<vmem_shared>> -> memref<10000x64xf32, #tpu.memory_space<vmem_shared>>
    %dma_wait3A_40 = tpu.memref_slice %arg17[%dma_wait3A_33] : memref<2x!tpu.dma_semaphore, #tpu.memory_space<semaphore_mem>> -> memref<1x!tpu.dma_semaphore, #tpu.memory_space<semaphore_mem>>
    %dma_wait3A_41 = tpu.memref_squeeze %dma_wait3A_40 : memref<1x!tpu.dma_semaphore, #tpu.memory_space<semaphore_mem>> -> memref<!tpu.dma_semaphore, #tpu.memory_space<semaphore_mem>>
    tpu.wait_indirect_dma semaphore(%dma_wait3A_41 : memref<!tpu.dma_semaphore, #tpu.memory_space<semaphore_mem>>) src(%dma_wait3A_39 : memref<10000x64xf32, #tpu.memory_space<vmem_shared>>) dst(%arg9 : memref<80x64xf32, #tpu.memory_space<vmem>>)
    %dma_wait3A_42 = arith.constant 124 : i32
    %dma_wait3A_43 = arith.constant 0 : i32
    %dma_wait3A_44 = arith.constant 0 : i32
    %dma_wait3A_45 = tpu.memref_slice %arg8[%dma_wait3A_42, %dma_wait3A_44] : memref<125x80xi32, #tpu.memory_space<vmem>> -> memref<1x80xi32, #tpu.memory_space<vmem>>
    %dma_wait3A_46 = tpu.memref_squeeze %dma_wait3A_45 : memref<1x80xi32, #tpu.memory_space<vmem>> -> memref<80xi32, #tpu.memory_space<vmem>>
    %dma_wait3A_47 = arith.constant 0 : i32
    %dma_wait3A_48 = arith.constant 0 : i32
    %dma_wait3A_49 = tpu.memref_slice %arg16[%dma_wait3A_47, %dma_wait3A_48] : memref<10000x64xf32, #tpu.memory_space<vmem_shared>> -> memref<10000x64xf32, #tpu.memory_space<vmem_shared>>
    %dma_wait3A_50 = tpu.memref_slice %arg18[%dma_wait3A_43] : memref<2x!tpu.dma_semaphore, #tpu.memory_space<semaphore_mem>> -> memref<1x!tpu.dma_semaphore, #tpu.memory_space<semaphore_mem>>
    %dma_wait3A_51 = tpu.memref_squeeze %dma_wait3A_50 : memref<1x!tpu.dma_semaphore, #tpu.memory_space<semaphore_mem>> -> memref<!tpu.dma_semaphore, #tpu.memory_space<semaphore_mem>>
    tpu.wait_indirect_dma semaphore(%dma_wait3A_51 : memref<!tpu.dma_semaphore, #tpu.memory_space<semaphore_mem>>) src(%dma_wait3A_49 : memref<10000x64xf32, #tpu.memory_space<vmem_shared>>) dst(%arg11 : memref<80x64xf32, #tpu.memory_space<vmem>>)
    %add3A_52 = arith.constant 0 : i32
    %add3A_53 = vector.broadcast %add3A_52 : i32 to vector<16xi32>
    %add3A_54 = arith.addi %iota3A, %add3A_53 : vector<16xi32>
    %add3A_55 = arith.constant 16 : i32
    %add3A_56 = vector.broadcast %add3A_55 : i32 to vector<16xi32>
    %add3A_57 = arith.addi %iota3A, %add3A_56 : vector<16xi32>
    %add3A_58 = arith.constant 32 : i32
    %add3A_59 = vector.broadcast %add3A_58 : i32 to vector<16xi32>
    %add3A_60 = arith.addi %iota3A, %add3A_59 : vector<16xi32>
    %add3A_61 = arith.constant 48 : i32
    %add3A_62 = vector.broadcast %add3A_61 : i32 to vector<16xi32>
    %add3A_63 = arith.addi %iota3A, %add3A_62 : vector<16xi32>
    %add3A_64 = arith.constant 64 : i32
    %add3A_65 = vector.broadcast %add3A_64 : i32 to vector<16xi32>
    %add3A_66 = arith.addi %iota3A, %add3A_65 : vector<16xi32>
    %broadcast_in_dim3A = arith.constant 0.000000e+00 : f32
    %broadcast_in_dim3A_67 = vector.broadcast %broadcast_in_dim3A : f32 to vector<16xf32>
    %scan3A_68 = arith.constant 0 : i32
    %scan3A_69 = arith.constant 64 : i32
    %scan3A_70 = arith.addi %scan3A_68, %scan3A_69 : i32
    %scan3A_71 = arith.constant 1 : i32
    %scan3A_72:10 = scf.for %scan3A_94 = %scan3A_68 to %scan3A_70 step %scan3A_71 iter_args(%scan3A_95 = %broadcast_in_dim3A_67, %scan3A_96 = %broadcast_in_dim3A_67, %scan3A_97 = %broadcast_in_dim3A_67, %scan3A_98 = %broadcast_in_dim3A_67, %scan3A_99 = %broadcast_in_dim3A_67, %scan3A_100 = %broadcast_in_dim3A_67, %scan3A_101 = %broadcast_in_dim3A_67, %scan3A_102 = %broadcast_in_dim3A_67, %scan3A_103 = %broadcast_in_dim3A_67, %scan3A_104 = %broadcast_in_dim3A_67) -> (vector<16xf32>, vector<16xf32>, vector<16xf32>, vector<16xf32>, vector<16xf32>, vector<16xf32>, vector<16xf32>, vector<16xf32>, vector<16xf32>, vector<16xf32>)  : i32 {
      %get3A = arith.index_cast %scan3A_94 : i32 to index
      %get3A_105 = arith.constant 0 : index
      %get3A_106 = tpu.vector_load %arg13[%get3A, %get3A_105] {strides = array<i32>} : memref<64x32xbf16, #tpu.memory_space<vmem>>, vector<32xbf16>,
      %broadcast_in_dim3A_107 = vector.broadcast %scan3A_94 : i32 to vector<16xi32>
      %add3A_108 = arith.addi %broadcast_in_dim3A_107, %iota3A : vector<16xi32>
      %and3A = arith.constant 63 : i32
      %and3A_109 = vector.broadcast %and3A : i32 to vector<16xi32>
      %and3A_110 = arith.andi %add3A_108, %and3A_109 : vector<16xi32>
      %gather3A = tpu.vector_load_idx %arg9[%add3A_54, %and3A_110] : memref<80x64xf32, #tpu.memory_space<vmem>>[vector<16xi32>, vector<16xi32>], vector<16xf32>,
      %gather3A_111 = tpu.vector_load_idx %arg11[%add3A_54, %and3A_110] : memref<80x64xf32, #tpu.memory_space<vmem>>[vector<16xi32>, vector<16xi32>], vector<16xf32>,
      %bitcast3A = vector.bitcast %gather3A : vector<16xf32> to vector<32xbf16>
      %bitcast3A_112 = vector.bitcast %gather3A_111 : vector<16xf32> to vector<32xbf16>
      %sub3A = arith.subf %bitcast3A, %bitcast3A_112 : vector<32xbf16>
      %abs3A = math.absf %sub3A : vector<32xbf16>
      %mul3A_113 = arith.mulf %abs3A, %get3A_106 : vector<32xbf16>
      %unpack3A = tpu.unpack_subelements %mul3A_113, 0 {pack_format = #tpu.pack_format<interleaved>} : vector<32xbf16> -> vector<16xf32>
      %unpack3A_114 = tpu.unpack_subelements %mul3A_113, 1 {pack_format = #tpu.pack_format<interleaved>} : vector<32xbf16> -> vector<16xf32>
      %add3A_115 = arith.addf %scan3A_95, %unpack3A : vector<16xf32>
      %add3A_116 = arith.addf %scan3A_96, %unpack3A_114 : vector<16xf32>
      %gather3A_117 = tpu.vector_load_idx %arg9[%add3A_57, %and3A_110] : memref<80x64xf32, #tpu.memory_space<vmem>>[vector<16xi32>, vector<16xi32>], vector<16xf32>,
      %gather3A_118 = tpu.vector_load_idx %arg11[%add3A_57, %and3A_110] : memref<80x64xf32, #tpu.memory_space<vmem>>[vector<16xi32>, vector<16xi32>], vector<16xf32>,
      %bitcast3A_119 = vector.bitcast %gather3A_117 : vector<16xf32> to vector<32xbf16>
      %bitcast3A_120 = vector.bitcast %gather3A_118 : vector<16xf32> to vector<32xbf16>
      %sub3A_121 = arith.subf %bitcast3A_119, %bitcast3A_120 : vector<32xbf16>
      %abs3A_122 = math.absf %sub3A_121 : vector<32xbf16>
      %mul3A_123 = arith.mulf %abs3A_122, %get3A_106 : vector<32xbf16>
      %unpack3A_124 = tpu.unpack_subelements %mul3A_123, 0 {pack_format = #tpu.pack_format<interleaved>} : vector<32xbf16> -> vector<16xf32>
      %unpack3A_125 = tpu.unpack_subelements %mul3A_123, 1 {pack_format = #tpu.pack_format<interleaved>} : vector<32xbf16> -> vector<16xf32>
      %add3A_126 = arith.addf %scan3A_97, %unpack3A_124 : vector<16xf32>
      %add3A_127 = arith.addf %scan3A_98, %unpack3A_125 : vector<16xf32>
      %gather3A_128 = tpu.vector_load_idx %arg9[%add3A_60, %and3A_110] : memref<80x64xf32, #tpu.memory_space<vmem>>[vector<16xi32>, vector<16xi32>], vector<16xf32>,
      %gather3A_129 = tpu.vector_load_idx %arg11[%add3A_60, %and3A_110] : memref<80x64xf32, #tpu.memory_space<vmem>>[vector<16xi32>, vector<16xi32>], vector<16xf32>,
      %bitcast3A_130 = vector.bitcast %gather3A_128 : vector<16xf32> to vector<32xbf16>
      %bitcast3A_131 = vector.bitcast %gather3A_129 : vector<16xf32> to vector<32xbf16>
      %sub3A_132 = arith.subf %bitcast3A_130, %bitcast3A_131 : vector<32xbf16>
      %abs3A_133 = math.absf %sub3A_132 : vector<32xbf16>
      %mul3A_134 = arith.mulf %abs3A_133, %get3A_106 : vector<32xbf16>
      %unpack3A_135 = tpu.unpack_subelements %mul3A_134, 0 {pack_format = #tpu.pack_format<interleaved>} : vector<32xbf16> -> vector<16xf32>
      %unpack3A_136 = tpu.unpack_subelements %mul3A_134, 1 {pack_format = #tpu.pack_format<interleaved>} : vector<32xbf16> -> vector<16xf32>
      %add3A_137 = arith.addf %scan3A_99, %unpack3A_135 : vector<16xf32>
      %add3A_138 = arith.addf %scan3A_100, %unpack3A_136 : vector<16xf32>
      %gather3A_139 = tpu.vector_load_idx %arg9[%add3A_63, %and3A_110] : memref<80x64xf32, #tpu.memory_space<vmem>>[vector<16xi32>, vector<16xi32>], vector<16xf32>,
      %gather3A_140 = tpu.vector_load_idx %arg11[%add3A_63, %and3A_110] : memref<80x64xf32, #tpu.memory_space<vmem>>[vector<16xi32>, vector<16xi32>], vector<16xf32>,
      %bitcast3A_141 = vector.bitcast %gather3A_139 : vector<16xf32> to vector<32xbf16>
      %bitcast3A_142 = vector.bitcast %gather3A_140 : vector<16xf32> to vector<32xbf16>
      %sub3A_143 = arith.subf %bitcast3A_141, %bitcast3A_142 : vector<32xbf16>
      %abs3A_144 = math.absf %sub3A_143 : vector<32xbf16>
      %mul3A_145 = arith.mulf %abs3A_144, %get3A_106 : vector<32xbf16>
      %unpack3A_146 = tpu.unpack_subelements %mul3A_145, 0 {pack_format = #tpu.pack_format<interleaved>} : vector<32xbf16> -> vector<16xf32>
      %unpack3A_147 = tpu.unpack_subelements %mul3A_145, 1 {pack_format = #tpu.pack_format<interleaved>} : vector<32xbf16> -> vector<16xf32>
      %add3A_148 = arith.addf %scan3A_101, %unpack3A_146 : vector<16xf32>
      %add3A_149 = arith.addf %scan3A_102, %unpack3A_147 : vector<16xf32>
      %gather3A_150 = tpu.vector_load_idx %arg9[%add3A_66, %and3A_110] : memref<80x64xf32, #tpu.memory_space<vmem>>[vector<16xi32>, vector<16xi32>], vector<16xf32>,
      %gather3A_151 = tpu.vector_load_idx %arg11[%add3A_66, %and3A_110] : memref<80x64xf32, #tpu.memory_space<vmem>>[vector<16xi32>, vector<16xi32>], vector<16xf32>,
      %bitcast3A_152 = vector.bitcast %gather3A_150 : vector<16xf32> to vector<32xbf16>
      %bitcast3A_153 = vector.bitcast %gather3A_151 : vector<16xf32> to vector<32xbf16>
      %sub3A_154 = arith.subf %bitcast3A_152, %bitcast3A_153 : vector<32xbf16>
      %abs3A_155 = math.absf %sub3A_154 : vector<32xbf16>
      %mul3A_156 = arith.mulf %abs3A_155, %get3A_106 : vector<32xbf16>
      %unpack3A_157 = tpu.unpack_subelements %mul3A_156, 0 {pack_format = #tpu.pack_format<interleaved>} : vector<32xbf16> -> vector<16xf32>
      %unpack3A_158 = tpu.unpack_subelements %mul3A_156, 1 {pack_format = #tpu.pack_format<interleaved>} : vector<32xbf16> -> vector<16xf32>
      %add3A_159 = arith.addf %scan3A_103, %unpack3A_157 : vector<16xf32>
      %add3A_160 = arith.addf %scan3A_104, %unpack3A_158 : vector<16xf32>
      scf.yield %add3A_115, %add3A_116, %add3A_126, %add3A_127, %add3A_137, %add3A_138, %add3A_148, %add3A_149, %add3A_159, %add3A_160 : vector<16xf32>, vector<16xf32>, vector<16xf32>, vector<16xf32>, vector<16xf32>, vector<16xf32>, vector<16xf32>, vector<16xf32>, vector<16xf32>, vector<16xf32>
    }
    %scan3A_73 = arith.constant 64 : i32
    %add3A_74 = arith.constant 9920 : i32
    %add3A_75 = vector.broadcast %add3A_74 : i32 to vector<16xi32>
    %add3A_76 = arith.addi %add3A_54, %add3A_75 : vector<16xi32>
    %add3A_77 = arith.addf %scan3A_72#0, %scan3A_72#1 : vector<16xf32>
    tpu.vector_store_idx %arg14[%add3A_76], %add3A_77 : memref<10000xf32, #tpu.memory_space<vmem>>[vector<16xi32>], vector<16xf32>,
    %add3A_78 = arith.constant 9920 : i32
    %add3A_79 = vector.broadcast %add3A_78 : i32 to vector<16xi32>
    %add3A_80 = arith.addi %add3A_57, %add3A_79 : vector<16xi32>
    %add3A_81 = arith.addf %scan3A_72#2, %scan3A_72#3 : vector<16xf32>
    tpu.vector_store_idx %arg14[%add3A_80], %add3A_81 : memref<10000xf32, #tpu.memory_space<vmem>>[vector<16xi32>], vector<16xf32>,
    %add3A_82 = arith.constant 9920 : i32
    %add3A_83 = vector.broadcast %add3A_82 : i32 to vector<16xi32>
    %add3A_84 = arith.addi %add3A_60, %add3A_83 : vector<16xi32>
    %add3A_85 = arith.addf %scan3A_72#4, %scan3A_72#5 : vector<16xf32>
    tpu.vector_store_idx %arg14[%add3A_84], %add3A_85 : memref<10000xf32, #tpu.memory_space<vmem>>[vector<16xi32>], vector<16xf32>,
    %add3A_86 = arith.constant 9920 : i32
    %add3A_87 = vector.broadcast %add3A_86 : i32 to vector<16xi32>
    %add3A_88 = arith.addi %add3A_63, %add3A_87 : vector<16xi32>
    %add3A_89 = arith.addf %scan3A_72#6, %scan3A_72#7 : vector<16xf32>
    tpu.vector_store_idx %arg14[%add3A_88], %add3A_89 : memref<10000xf32, #tpu.memory_space<vmem>>[vector<16xi32>], vector<16xf32>,
    %add3A_90 = arith.constant 9920 : i32
    %add3A_91 = vector.broadcast %add3A_90 : i32 to vector<16xi32>
    %add3A_92 = arith.addi %add3A_66, %add3A_91 : vector<16xi32>
    %add3A_93 = arith.addf %scan3A_72#8, %scan3A_72#9 : vector<16xf32>
    tpu.vector_store_idx %arg14[%add3A_92], %add3A_93 : memref<10000xf32, #tpu.memory_space<vmem>>[vector<16xi32>], vector<16xf32>,
    "tpu.region"() ({
      %run_scoped3A = tpu.sem_alloc : memref<!tpu.dma_semaphore, #tpu.memory_space<semaphore_mem>>
      %dma_start3A_94 = tpu.memref_slice %arg6[%mul3A_7] : memref<320000xf32, #tpu.memory_space<hbm>> -> memref<10000xf32, #tpu.memory_space<hbm>>
      %dma_start3A_95 = tpu.memref_slice %arg6[%mul3A_7] : memref<320000xf32, #tpu.memory_space<hbm>> -> memref<10000xf32, #tpu.memory_space<hbm>>
      tpu.enqueue_dma source(%arg14 : memref<10000xf32, #tpu.memory_space<vmem>>) target(%dma_start3A_95 : memref<10000xf32, #tpu.memory_space<hbm>>) target_semaphore(%run_scoped3A : memref<!tpu.dma_semaphore, #tpu.memory_space<semaphore_mem>>)
      %dma_wait3A_96 = tpu.memref_slice %arg6[%mul3A_7] : memref<320000xf32, #tpu.memory_space<hbm>> -> memref<10000xf32, #tpu.memory_space<hbm>>
      %dma_wait3A_97 = tpu.memref_slice %arg6[%mul3A_7] : memref<320000xf32, #tpu.memory_space<hbm>> -> memref<10000xf32, #tpu.memory_space<hbm>>
      tpu.wait_dma2 semaphore(%run_scoped3A : memref<!tpu.dma_semaphore, #tpu.memory_space<semaphore_mem>>) src(%arg14 : memref<10000xf32, #tpu.memory_space<vmem>>) dst(%dma_wait3A_97 : memref<10000xf32, #tpu.memory_space<hbm>>)
      tpu.yield
    }) : () -> ()
    return
  }
}

</mosaic_0001>

<sc_bundles>
// kernel: kernel.3.cloned.1.call-start
scs
__scs_entry_jumppad:
0x0: {  	(pc) =	sbr.rel $0x88, $3  }
0x1: {  	(tag) =	ssettag $0x0;
	lr =	simm.s32 $0x1  }
0x2: {  	[smem:$0x3F9D] =	sst lr;
	_ =	strace $0xD0000000  }
0x3: {  	_ = 	snop  }
0x4: {  	_ = 	snop  }
0x5: {  	_ = 	snop  }
0x6: {  	_ = 	snop  }
0x7: {  	_ = 	snop  }
__scs_overlays_trampoline_lowered:
0x8: {  	[smem:$0x3FAC] =	sst s0  }
0x9: {  	[smem:$0x3FAD] =	sst s1  }
0xa: {  	[smem:$0x3FAE] =	sst s2  }
0xb: {  	[smem:$0x3FAF] =	sst s3  }
0xc: {  	[smem:$0x3FB0] =	sst s4  }
0xd: {  	[smem:$0x3FB1] =	sst s5  }
0xe: {  	[smem:$0x3FB2] =	sst s6  }
0xf: {  	[smem:$0x3FB3] =	sst s7  }
0x10: {  	[smem:$0x3FB4] =	sst s8  }
0x11: {  	[smem:$0x3FB5] =	sst s9;
	s0 =	simm.s32 @!p0 $0x0  }
0x12: {  	s1 =	sld [smem:$0x3F9B];
	s0 =	simm.s32 @p0 $0x1  }
0x13: {  	[smem:$0x3FB6] =	sst s0;
	s0 =	simm.s32 @!p1 $0x0  }
0x14: {  	s2 =	sld [smem:$0x3F9A];
	s0 =	simm.s32 @p1 $0x1  }
0x15: {  	[smem:$0x3FB7] =	sst s0;
	s0 =	simm.s32 @!p2 $0x0  }
0x16: {  	s3 =	sld [smem:$0x3FDB];
	s0 =	simm.s32 @p2 $0x1  }
0x17: {  	s4 =	simm.s32 $0x1BF5;
	[smem:$0x3FB9] =	sst s0  }
0x18: {  	s0 =	sld [smem:$0x3F9C];
	_ =	swait.ge [sflag:s4], $0x0  }
0x19: {  	s7 =	sld [smem:$0x3F9D]  }
0x1a: {  	s8 =	sadd.s32 $0xFFFFE003, lr  }
0x1b: {  	s9 =	sadd.s32 $0xFFFFFEF7, lr;
	s5 =	simm.s32 $0xFFFFFFFF;
	p2 =	slt.u32 s8, $0xFFFFF086  }
0x1c: {  	p1 =	slt.u32 s9, $0xF7A;
	s5 =	simm.s32 @!p2 $0x0  }
0x1d: {  	s5 =	simm.s32 @p1 $0x1;
	p0 =	seq.s32 s7, s2  }
0x1e: {  	s7 =	smul.u32 @!p0 $0xF7A, s2;
	p2 =	seq.s32 @!p0 s5, $0x0  }
0x1f: {  	s9 =	smul.u32 $0xF7A, s1;
	s8 =	simm.s32 @!p0 $0x1BF5;
	p2 =	por !p2, p0  }
0x20: {  	[sflag:s8] =	ssyncset.s32 @!p0 $0xFFFFF086;
	s6 =	sadd.s32 @!p0 s3, s7;
	s7 =	simm.s32 @!p0 $0x108  }
0x21: {  	s3 =	sadd.s32 s3, s9;
	s6 =	sadd.s32 @!p0 $0x88, s6;
	s7 =	simm.s32 @p2 $0x1082  }
0x22: {  	[simem:s7], [sflag:s8] =	dma.local @!p0 [hbm:s6], $0xF7A  }
0x23: {  	s9 =	sor.u32 $0xD0000000, s2;
	s6 =	simm.s32 $0x108;
	_ =	swait.ge @!p0 [sflag:s8], $0x0  }
0x24: {  	s3 =	sadd.s32 $0x88, s3;
	s6 =	simm.s32 @!p1 $0x1082;
	[sflag:s4] =	ssyncset.s32 $0xFFFFF086  }
0x25: {  	[simem:s6], [sflag:s4] =	dma.local [hbm:s3], $0xF7A  }
0x26: {  	[smem:$0x3F9D] =	sst s1;
	(tag) =	ssettag s2;
	_ =	strace s9  }
0x27: {  	s1 =	sld [smem:$0x3FAD]  }
0x28: {  	s2 =	sld [smem:$0x3FAE]  }
0x29: {  	s4 =	sld [smem:$0x3FB0]  }
0x2a: {  	p0 =	seq.s32 s5, $0x0;
	s5 =	sld [smem:$0x3FB1]  }
0x2b: {  	s6 =	sld [smem:$0x3FB2]  }
0x2c: {  	s7 =	sld [smem:$0x3FB3]  }
0x2d: {  	s3 =	simm.s32 $0x108;
	s8 =	sld [smem:$0x3FB4]  }
0x2e: {  	s3 =	simm.s32 @!p0 $0x1082;
	s9 =	sld [smem:$0x3FB5]  }
0x2f: {  	lr =	sadd.s32 s0, s3;
	s0 =	sld [smem:$0x3FAC]  }
0x30: {  	s3 =	sld [smem:$0x3FAF]  }
0x31: {  	[smem:$0x3FB8] =	sst s10  }
0x32: {  	s10 =	sld [smem:$0x3FB6];
	_ =	sdelay $0x3  }
0x33: {  	p0 =	seq.s32 s10, $0x1;
	s10 =	sld [smem:$0x3FB8];
	_ =	sdelay $0x3  }
0x34: {  	[smem:$0x3FB8] =	sst s10  }
0x35: {  	s10 =	sld [smem:$0x3FB7];
	_ =	sdelay $0x3  }
0x36: {  	p1 =	seq.s32 s10, $0x1;
	s10 =	sld [smem:$0x3FB8];
	_ =	sdelay $0x3  }
0x37: {  	[smem:$0x3FB8] =	sst s10  }
0x38: {  	s10 =	sld [smem:$0x3FB9]  }
0x39: {  	_ = 	snop;
	(pc) =	sbr.ind lr, $3  }
0x3a: {  	_ = 	snop  }
0x3b: {  	_ = 	snop  }
0x3c: {  	p2 =	seq.s32 s10, $0x1;
	s10 =	sld [smem:$0x3FB8]  }
0x3d: {  	_ =	shalt  }
0x3e: {  	_ =	shalt  }
0x3f: {  	_ =	shalt  }
0x40: {  	_ =	shalt  }
0x41: {  	_ =	shalt  }
0x42: {  	_ =	shalt  }
0x43: {  	_ =	shalt  }
0x44: {  	_ =	shalt  }
0x45: {  	_ =	shalt  }
0x46: {  	_ =	shalt  }
0x47: {  	_ =	shalt  }
0x48: {  	_ =	shalt  }
0x49: {  	_ =	shalt  }
0x4a: {  	_ =	shalt  }
0x4b: {  	_ =	shalt  }
0x4c: {  	_ =	shalt  }
0x4d: {  	_ =	shalt  }
0x4e: {  	_ =	shalt  }
0x4f: {  	_ =	shalt  }
0x50: {  	_ =	shalt  }
0x51: {  	_ =	shalt  }
0x52: {  	_ =	shalt  }
0x53: {  	_ =	shalt  }
0x54: {  	_ =	shalt  }
0x55: {  	_ =	shalt  }
0x56: {  	_ =	shalt  }
0x57: {  	_ =	shalt  }
0x58: {  	_ =	shalt  }
0x59: {  	_ =	shalt  }
0x5a: {  	_ =	shalt  }
0x5b: {  	_ =	shalt  }
0x5c: {  	_ =	shalt  }
0x5d: {  	_ =	shalt  }
0x5e: {  	_ =	shalt  }
0x5f: {  	_ =	shalt  }
0x60: {  	_ =	shalt  }
0x61: {  	_ =	shalt  }
0x62: {  	_ =	shalt  }
0x63: {  	_ =	shalt  }
0x64: {  	_ =	shalt  }
0x65: {  	_ =	shalt  }
0x66: {  	_ =	shalt  }
0x67: {  	_ =	shalt  }
0x68: {  	_ =	shalt  }
0x69: {  	_ =	shalt  }
0x6a: {  	_ =	shalt  }
0x6b: {  	_ =	shalt  }
0x6c: {  	_ =	shalt  }
0x6d: {  	_ =	shalt  }
0x6e: {  	_ =	shalt  }
0x6f: {  	_ =	shalt  }
0x70: {  	_ =	shalt  }
0x71: {  	_ =	shalt  }
0x72: {  	_ =	shalt  }
0x73: {  	_ =	shalt  }
0x74: {  	_ =	shalt  }
0x75: {  	_ =	shalt  }
0x76: {  	_ =	shalt  }
0x77: {  	_ =	shalt  }
0x78: {  	_ =	shalt  }
0x79: {  	_ =	shalt  }
0x7a: {  	_ =	shalt  }
0x7b: {  	_ =	shalt  }
0x7c: {  	_ =	shalt  }
0x7d: {  	_ =	shalt  }
0x7e: {  	_ =	shalt  }
0x7f: {  	_ =	shalt  }
0x80: {  	_ =	shalt  }
0x81: {  	_ =	shalt  }
0x82: {  	_ =	shalt  }
0x83: {  	_ =	shalt  }
0x84: {  	_ =	shalt  }
0x85: {  	_ =	shalt  }
0x86: {  	_ =	shalt  }
0x87: {  	_ =	shalt  }
.Lfunc_end0:
.L_simem_size_0:
called_computation_lowered:
.L_overlay_start_0:
0x88: {  	s2 =	sld [smem:$0x3FD9]  }
0x89: {  	s3 =	sld [smem:$0x3FFE];
	_ =	sdelay $0x1  }
0x8a: {  	s1 =	srdreg.scid  }
0x8b: {  	s0 =	sand.u32 $0x1, s1  }
0x8c: {  	s17 =	sshll.u32 s0, $0xA;
	s2 =	sadd.s32 s3, s2  }
0x8d: {  	s2 =	sadd.s32 s2, s17  }
0x8e: {  	[smem:$0x3FC4] =	sst s2  }
0x8f: {  	_ = 	snop  }
0x90: {  	s2 =	sld [smem:$0x3FC8]  }
0x91: {  	s18 =	sld [smem:$0x3FC7]  }
0x92: {  	s4 =	sld [smem:$0x3FD0];
	(tm) =	ssettm $0x1  }
0x93: {  	s5 =	sld [smem:$0x3FFB];
	_ =	sdelay $0x3  }
0x94: {  	_ =	strace s5  }
0x95: {  	s5 =	sld [smem:$0x3FFC];
	_ =	sdelay $0x3  }
0x96: {  	_ =	strace s5  }
0x97: {  	s5 =	sld [smem:$0x3FFD];
	_ =	sdelay $0x3  }
0x98: {  	_ =	strace s5  }
0x99: {  	_ =	strace $0x8FFFFFFF  }
0x9a: {  	s19 =	sld [smem:$0x3FDB];
	_ =	sdelay $0x1  }
0x9b: {  	s6 =	simm.s32 $_scs_section_size  }
0x9c: {  	s7 =	simm.s32 $_size__tile_overlayer_lowered;
	s8 =	simm.s32 $_tile_overlayer_lowered  }
0x9d: {  	s22 =	simm.s32 $0x1BFF;
	s21 =	sshll.u32 s8, $0x1;
	s5 =	sadd.s32 s6, s19  }
0x9e: {  	s9 =	simm.s32 $0x0;
	s20 =	sshll.u32 s7, $0x1;
	s7 =	sadd.s32 s21, s5  }
0x9f: {  	[timem:s9], [sflag:s22] =	dma.local [hbm:s7], s20  }
0xa0: {  	_ =	swait.ge [sflag:s22], s20  }
0xa1: {  	s6 =	ssub.s32 $0x0, s20;
	[sflag:s22] =	ssyncset.done $0x0  }
0xa2: {  	[sflag:s22] =	ssyncadd.s32 s6;
	_ =	sdelay $0x1  }
0xa3: {  	s23 =	simm.s32 $0x1B8B  }
0xa4: {  	_ =	swait.ge [sflag:s23], $0x1  }
0xa5: {  	[sflag:s23] =	ssyncset.done $0x0  }
0xa6: {  	s25 =	simm.s32 $0x1B8E;
	s24 =	sld [smem:$0x3FFE];
	[sflag:s23] =	ssyncadd.s32 $0xFFFFFFFF  }
0xa7: {  	s26 =	simm.s32 $execute0_lowered;
	[smem:$0x3FD2] =	sst s25  }
0xa8: {  	s7 =	sshll.u32 s26, $0x1;
	_ =	strace $0x80000046;
	[dreg:$0x1] =	wrdreg $0xFFFFFFFF  }
0xa9: {  	s28 =	simm.s32 $_size_execute0_lowered;
	s5 =	sadd.s32 s5, s7;
	[dreg:$0x0] =	wrdreg $0x0  }
0xaa: {  	s7 =	sshll.u32 s28, $0x1;
	[dreg:$0x2] =	wrdreg s5  }
0xab: {  	[dreg:$0x3] =	wrdreg s7  }
0xac: {  	[dreg:$0x4] =	wrdreg $0xC0  }
0xad: {  	_ =	task [dreg:s9], $0x5FFFF  }
0xae: {  	[dreg:$0x1] =	wrdreg $0xFFFFFFFF  }
0xaf: {  	[dreg:$0x0] =	wrdreg $0x60  }
0xb0: {  	[dreg:$0x2] =	wrdreg s24  }
0xb1: {  	[dreg:$0x3] =	wrdreg s2  }
0xb2: {  	[dreg:$0x4] =	wrdreg s18  }
0xb3: {  	[dreg:$0x5] =	wrdreg s4  }
0xb4: {  	[dreg:$0x6] =	wrdreg $0xFB300  }
0xb5: {  	[dreg:$0x7] =	wrdreg $0x9  }
0xb6: {  	_ =	task.clear_ibuf [dreg:s9], $0x8FFFF;
	_ =	strace $0x90000046  }
0xb7: {  	s29 =	simm.s32 $0x9;
	_ =	strace $0x80000048  }
0xb8: {  	_ =	swait.ge [sflag:s29], $0x1  }
0xb9: {  	[sflag:s29] =	ssyncadd.s32 $0xFFFFFFFF  }
0xba: {  	_ =	strace $0x90000048  }
0xbb: {  	_ =	sfence  }
0xbc: {  	s30 =	sld [smem:$0x0];
	_ =	sdelay $0x2  }
0xbd: {  	s31 =	sshll.u32 s1, $0xD;
	s1 =	sshrl.u32 s1, $0x2  }
0xbe: {  	s3 =	sand.u32 $0x4000, s31;
	s1 =	sadd.s32 s1, s30  }
0xbf: {  	s0 =	sor.u32 s3, s0;
	s1 =	sshll.u32 s1, $0x11  }
0xc0: {  	s0 =	sor.u32 s1, s0  }
0xc1: {  	s0 =	sadd.s32 $0x8F2B, s0  }
0xc2: {  	[sflag:s0] =	ssyncadd.remote.s32 $0x1  }
0xc3: {  	_ =	sfence.sel $0xFFFF  }
0xc4: {  	[dreg:$0x0] =	wrdreg $0xFFFFFFFF;
	(pc) =	sbr.abs _section_cstart, $3  }
0xc5: {  	[dreg:$0x1] =	wrdreg $0xFFFFFFFF  }
0xc6: {  	_ =	task.clear_ibuf [dreg:s9], $0x2FFFF;
	_ =	strace $0x9FFFFFFF  }
0xc7: {  	(tm) =	ssettm $0x7FFFFFFF  }
tec
execute0_lowered:
.L_overlay_start_1:
0x0: {  	(tag) =	ssettag $0x1  }
0x1: {  	s0 =	rddreg [dreg:$0x0]  }
0x2: {  	s1 =	rddreg [dreg:$0x1]  }
0x3: {  	s4 =	rddreg [dreg:$0x2]  }
0x4: {  	s5 =	rddreg [dreg:$0x3]  }
0x5: {  	s2 =	rddreg [dreg:$0x4]  }
0x6: {  	s6 =	srdreg.scid;
	s8 =	stileid.u32  }
0x7: {  	s3 =	simm.s32 $0x0;
	s28 =	simm.s32 $0x1;
	s29 =	simm.s32 $0x3  }
0x8: {  	s30 =	simm.s32 $0xA220;
	s31 =	simm.s32 $0x2;
	s6 =	sand.u32 $0x1, s6  }
0x9: {  	s7 =	sshll.u32 s8, $0x1;
	[smem:$0x7FF] =	sst s3;
	s15 =	sadd.s32 $0x200, s0  }
0xa: {  	s0 =	sadd.s32 $0x13C00, s0;
	s18 =	smul.u32 $0x3200, s8;
	s22 =	sor.u32 $0x30, s8  }
0xb: {  	s7 =	sor.u32 s6, s7;
	_ =	strace $0x80000047;
	s6 =	ssub.s32 $0x2, s6  }
0xc: {  	[dreg:$0x6] =	wrdreg s0;
	s24 =	smul.u32 $0x3200, s22;
	p0 =	sgt.u32 s22, $0x31  }
0xd: {  	s22 =	simm.s32 $0x50;
	s7 =	smul.u32 $0x4E2, s7;
	s17 =	sshrl.u32 s6, $0x1  }
0xe: {  	s20 =	sshrl.u32 s18, $0x3;
	s21 =	sadd.s32 $0x32000, s18;
	s10 =	sadd.s32 s18, s2  }
0xf: {  	s25 =	sadd.s32 $0x64000, s18;
	s18 =	simm.s32 $0x5;
	s0 =	ssub.s32 s6, s17  }
0x10: {  	s9 =	sadd.s32 s15, s20;
	s23 =	sshrl.u32 s21, $0x3;
	s12 =	sadd.s32 s21, s2  }
0x11: {  	s26 =	sshrl.u32 s24, $0x3;
	s14 =	sadd.s32 s25, s2;
	s16 =	sadd.s32 s24, s2  }
0x12: {  	s20 =	simm.s32 $0xC930;
	s21 =	simm.s32 $0x6;
	s1 =	sadd.s32 s1, s7  }
0x13: {  	s24 =	simm.s32 $0x7620;
	s4 =	sadd.s32 s4, s7;
	[dreg:$0x7] =	wrdreg s1  }
0x14: {  	v0 =	vlaneseq.u32;
	s19 =	sadd.s32 s5, s7;
	s0 =	smax.u32 s0, $0x1;
	[dreg:$0x8] =	wrdreg s4  }
0x15: {  	v1 =	vmul.u32 $0x40, v0;
	s11 =	sadd.s32 s15, s23;
	s23 =	simm.s32 $0x4E20;
	[dreg:$0x9] =	wrdreg s19  }
0x16: {  	v6 =	vor.u32 $0x10, v0;
	v7 =	vor.u32 $0x20, v0;
	v8 =	vand.u32 $0x7, v0;
	[dreg:$0xa] =	wrdreg s0;
	s1 =	sshrl.u32 s25, $0x3;
	s19 =	simm.s32 $0x2710  }
0x17: {  	v9 =	vor.u32 $0x30, v0;
	v10 =	vor.u32 $0x40, v0;
	v2 =	vor.u32 $0x400, v1;
	s25 =	simm.s32 $0x6220;
	s0 =	simm.s32 $0x4;
	s13 =	sadd.s32 s15, s1  }
0x18: {  	v3 =	vor.u32 $0x800, v1;
	v4 =	vor.u32 $0xC00, v1;
	v5 =	vor.u32 $0x1000, v1;
	s15 =	sadd.s32 s15, s26;
	s26 =	simm.s32 $0x8A20;
	s1 =	simm.s32 $0x0  }
.LBB2_1:
0x19: {  	s4 =	rddreg [dreg:$0x6];
	s5 =	simm.s32 $0x9E20  }
0x1a: {  	[tilespmem:s5], [sflag:$0x5] =	stream.linear.gather [hbm4b:s4+s3], $0x400, $0x38;
	[tilespmem:$0x19770] =	vst v63  }
0x1b: {  	_ =	swait.ge [sflag:s18], $0x400  }
0x1c: {  	[sflag:s18] =	ssyncset.done $0x0  }
0x1d: {  	s8 =	rddreg [dreg:$0x7];
	[sflag:s18] =	ssyncadd.s32 $0xFFFFFC00  }
0x1e: {  	[tilespmem:s3], [sflag:$0x5] =	stream.linear.gather [hbm4b:s8+s3], $0x2710, $0x38;
	[tilespmem:$0x19770] =	vst v63  }
0x1f: {  	_ =	swait.ge [sflag:s18], $0x2710  }
0x20: {  	[sflag:s18] =	ssyncset.done $0x0  }
0x21: {  	s17 =	rddreg [dreg:$0x8];
	[sflag:s18] =	ssyncadd.s32 $0xFFFFD8F0  }
0x22: {  	[tilespmem:s19], [sflag:$0x5] =	stream.linear.gather [hbm4b:s17+s3], $0x2710, $0x38;
	[tilespmem:$0x19770] =	vst v63  }
0x23: {  	_ =	swait.ge [sflag:s18], $0x2710  }
0x24: {  	[sflag:s18] =	ssyncset.done $0x0  }
0x25: {  	[sflag:s18] =	ssyncadd.s32 $0xFFFFD8F0  }
0x26: {  	[tilespmem:s20], [sflag:$0x6] =	stream.linear.gather [hbm4b:s9+s3], $0x3200, $0x38;
	[tilespmem:$0x19770] =	vst v63  }
0x27: {  	_ =	swait.ge [sflag:s21], $0x3200  }
0x28: {  	[sflag:s21] =	ssyncset.done $0x0  }
0x29: {  	[sflag:s21] =	ssyncadd.s32 $0xFFFFCE00  }
0x2a: {  	[spmem:s10] =	stream.linear.scatter [tilespmem:s20], [sflag:$0x5], $0x3200, $0x38;
	[tilespmem:$0x19770] =	vst v63  }
0x2b: {  	_ =	swait.ge [sflag:s18], $0x3200  }
0x2c: {  	[sflag:s18] =	ssyncset.done $0x0  }
0x2d: {  	[sflag:s18] =	ssyncadd.s32 $0xFFFFCE00  }
0x2e: {  	[tilespmem:s20], [sflag:$0x6] =	stream.linear.gather [hbm4b:s11+s3], $0x3200, $0x38;
	[tilespmem:$0x19770] =	vst v63  }
0x2f: {  	_ =	swait.ge [sflag:s21], $0x3200  }
0x30: {  	[sflag:s21] =	ssyncset.done $0x0  }
0x31: {  	[sflag:s21] =	ssyncadd.s32 $0xFFFFCE00  }
0x32: {  	[spmem:s12] =	stream.linear.scatter [tilespmem:s20], [sflag:$0x5], $0x3200, $0x38;
	[tilespmem:$0x19770] =	vst v63  }
0x33: {  	_ =	swait.ge [sflag:s18], $0x3200  }
0x34: {  	[sflag:s18] =	ssyncset.done $0x0  }
0x35: {  	[sflag:s18] =	ssyncadd.s32 $0xFFFFCE00  }
0x36: {  	[tilespmem:s20], [sflag:$0x6] =	stream.linear.gather [hbm4b:s13+s3], $0x3200, $0x38;
	[tilespmem:$0x19770] =	vst v63  }
0x37: {  	_ =	swait.ge [sflag:s21], $0x3200  }
0x38: {  	[sflag:s21] =	ssyncset.done $0x0  }
0x39: {  	[sflag:s21] =	ssyncadd.s32 $0xFFFFCE00  }
0x3a: {  	[spmem:s14] =	stream.linear.scatter [tilespmem:s20], [sflag:$0x5], $0x3200, $0x38;
	[tilespmem:$0x19770] =	vst v63  }
0x3b: {  	_ =	swait.ge [sflag:s18], $0x3200  }
0x3c: {  	[sflag:s18] =	ssyncset.done $0x0  }
0x3d: {  	s4 =	simm.s32 @!p0 $0x0;
	s5 =	simm.s32 @!p0 $0xC930;
	[sflag:s18] =	ssyncadd.s32 $0xFFFFCE00  }
0x3e: {  	[tilespmem:s5], [sflag:$0x6] =	stream.linear.gather @!p0 [hbm4b:s15+s4], $0x3200, $0x38;
	[tilespmem:$0x19770] =	vst v63  }
0x3f: {  	s4 =	simm.s32 @!p0 $0x6  }
0x40: {  	_ =	swait.ge @!p0 [sflag:s4], $0x3200  }
0x41: {  	[sflag:s4] =	ssyncset.done @!p0 $0x0  }
0x42: {  	[sflag:s4] =	ssyncadd.s32 @!p0 $0xFFFFCE00;
	s4 =	simm.s32 @!p0 $0x5  }
0x43: {  	[spmem:s16] =	stream.linear.scatter @!p0 [tilespmem:s5], [sflag:$0x5], $0x3200, $0x38;
	[tilespmem:$0x19770] =	vst v63  }
0x44: {  	_ =	swait.ge @!p0 [sflag:s4], $0x3200  }
0x45: {  	[sflag:s4] =	ssyncset.done @!p0 $0x0  }
0x46: {  	[sflag:s4] =	ssyncadd.s32 @!p0 $0xFFFFCE00  }
0x47: {  	[bflag:$0x0] =	sbarrier.arrive $0xFFFF  }
0x48: {  	[tilespmem:s23], [sflag:$0x1] =	stream.indirect.gather [spmem:s2], $0x40, s3, s22, $0xb8;
	[tilespmem:$0x19770] =	vst v63  }
0x49: {  	s17 =	simm.s32 $0x0  }
0x4a: {  	[tilespmem:s24], [sflag:$0x3] =	stream.indirect.gather [spmem:s2], $0x40, s19, s22, $0xb8;
	[tilespmem:$0x19770] =	vst v63  }
.LBB2_2:
0x4b: {  	s5 =	smul.u32 $0xA0, s17;
	_ =	sdelay $0x1  }
0x4c: {  	s4 =	sadd.s32 $0x50, s5  }
0x4d: {  	[tilespmem:s25], [sflag:$0x2] =	stream.indirect.gather [spmem:s2], $0x40, s4, s22, $0xb8;
	[tilespmem:$0x19770] =	vst v63  }
0x4e: {  	s7 =	simm.s32 $0x0;
	s6 =	sadd.s32 $0x2760, s5  }
0x4f: {  	v11 =	vadd.s32 s7, v0;
	[tilespmem:s26], [sflag:$0x4] =	stream.indirect.gather [spmem:s2], $0x40, s6, s22, $0xb8;
	[tilespmem:$0x19770] =	vst v63  }
0x50: {  	v11 =	vand.u32 $0x3F, v11;
	_ =	swait.ge [sflag:s28], $0x1400  }
0x51: {  	v12 =	vor.u32 v1, v11;
	[sflag:s28] =	ssyncset.done $0x0  }
0x52: {  	v13 =	vor.u32 v2, v11;
	[sflag:s28] =	ssyncadd.s32 $0xFFFFEC00  }
0x53: {  	v14 =	vor.u32 v5, v11;
	_ =	swait.ge [sflag:s29], $0x1400  }
0x54: {  	v15 =	vor.u32 v4, v11;
	[sflag:s29] =	ssyncset.done $0x0  }
0x55: {  	[sflag:s29] =	ssyncadd.s32 $0xFFFFEC00  }
0x56: {  	v16 =	vld.idx.msk [tilespmem:v12+s23+$0x0], $0xffff  }
0x57: {  	v17 =	vld.idx.msk [tilespmem:v13+s24+$0x0], $0xffff  }
0x58: {  	v18 =	vld.idx.msk [tilespmem:v14+s24+$0x0], $0xffff  }
0x59: {  	v20 =	vld.idx.msk [tilespmem:v15+s24+$0x0], $0xffff  }
0x5a: {  	v21 =	vld.idx.msk [tilespmem:v12+s24+$0x0], $0xffff  }
0x5b: {  	s7 =	simm.s32 $0x1;
	v13 =	vld.idx.msk [tilespmem:v13+s23+$0x0], $0xffff  }
0x5c: {  	v11 =	vor.u32 v3, v11;
	v15 =	vld.idx.msk [tilespmem:v15+s23+$0x0], $0xffff;
	v12 =	vadd.s32 s7, v0  }
0x5d: {  	s8 =	simm.s32 $0x9E20;
	v14 =	vld.idx.msk [tilespmem:v14+s23+$0x0], $0xffff;
	v22 =	vand.u32 $0x3F, v12  }
0x5e: {  	v19 =	vld [tilespmem:s8+$0x0];
	s8 =	simm.s32 $0x2;
	v23 =	vor.u32 v1, v22  }
0x5f: {  	v12 =	vimm.f32 $0.0e+00;
	v29 =	vadd.s32 s8, v0;
	v24 =	vor.u32 v2, v22  }
0x60: {  	v25 =	vor.u32 v4, v22;
	v37 =	vand.u32 $0x3F, v29;
	v13 =	vsub.bf16 v13, v17  }
0x61: {  	v28 =	vld.idx.msk [tilespmem:v11+s23+$0x0], $0xffff;
	v29 =	vor.u32 v3, v37;
	v16 =	vsub.bf16 v16, v21;
	v15 =	vsub.bf16 v15, v20  }
0x62: {  	v30 =	vor.u32 v4, v37;
	v20 =	vld.idx.msk [tilespmem:v11+s24+$0x0], $0xffff;
	v21 =	vor.u32 v5, v22;
	v14 =	vsub.bf16 v14, v18  }
0x63: {  	v13 =	vand.u32 $0x7FFF7FFF, v13;
	v11 =	vand.u32 $0x7FFF7FFF, v15;
	v15 =	vand.u32 $0x7FFF7FFF, v16;
	v16 =	vld.idx.msk [tilespmem:v23+s23+$0x0], $0xffff  }
0x64: {  	v17 =	vor.u32 v3, v22;
	v22 =	vld.idx.msk [tilespmem:v24+s24+$0x0], $0xffff;
	v14 =	vand.u32 $0x7FFF7FFF, v14;
	v13 =	vmul.bf16 v13, v19  }
0x65: {  	v38 =	vld.idx.msk [tilespmem:v24+s23+$0x0], $0xffff;
	v24 =	vimm.f32 $0.0e+00;
	v15 =	vmul.bf16 v15, v19;
	v11 =	vmul.bf16 v11, v19  }
0x66: {  	v32 =	vld.idx.msk [tilespmem:v23+s24+$0x0], $0xffff;
	v33 =	vmul.bf16 v14, v19;
	v27 =	vunpack.i.u.bf16.f32 v13;
	v13 =	vunpack.i.l.bf16.f32 v13  }
0x67: {  	v34 =	vld.idx.msk [tilespmem:v25+s24+$0x0], $0xffff;
	v18 =	vunpack.i.u.bf16.f32 v15;
	v40 =	vunpack.i.l.bf16.f32 v11;
	v14 =	vunpack.i.l.bf16.f32 v15  }
0x68: {  	v36 =	vld.idx.msk [tilespmem:v25+s23+$0x0], $0xffff;
	v26 =	vunpack.i.u.bf16.f32 v11;
	v25 =	vsub.bf16 v28, v20;
	v20 =	vor.u32 v5, v37  }
0x69: {  	v31 =	vld.idx.msk [tilespmem:v17+s24+$0x0], $0xffff;
	v28 =	vimm.f32 $0.0e+00;
	v15 =	vadd.f32 v14, v12;
	v11 =	vadd.f32 v13, v12  }
0x6a: {  	v23 =	vld.idx.msk [tilespmem:v21+s24+$0x0], $0xffff;
	v13 =	vadd.f32 v18, v12;
	v14 =	vadd.f32 v26, v12;
	v26 =	vor.u32 v1, v37  }
0x6b: {  	s6 =	simm.s32 $0x9E30;
	v18 =	vor.u32 v2, v37;
	v37 =	vld.idx.msk [tilespmem:v21+s23+$0x0], $0xffff;
	v21 =	vimm.f32 $0.0e+00;
	v35 =	vsub.bf16 v16, v32  }
0x6c: {  	s7 =	simm.s32 $0x3;
	v39 =	vand.u32 $0x7FFF7FFF, v25;
	v16 =	vadd.f32 v40, v12;
	v32 =	vld [tilespmem:s6+$0x0];
	v25 =	vimm.f32 $0.0e+00  }
.LBB2_3:
0x6d: {  	p1 =	sne.s32 s7, $0x3F  }
0x6e: {  	v34 =	vsub.bf16 v36, v34;
	s6 =	sadd.s32 $0x10, s6;
	v36 =	vmul.bf16 v39, v19;
	v19 =	vunpack.i.u.bf16.f32 v33;
	v39 =	vmovc v31;
	s8 =	smov.u32 s7;
	s7 =	sadd.s32 $0x1, s7  }
0x6f: {  	v31 =	vsub.bf16 v38, v22;
	v12 =	vadd.f32 v27, v12;
	v22 =	vunpack.i.l.bf16.f32 v33;
	v40 =	vld.idx.msk [tilespmem:v17+s23+$0x0], $0xffff;
	v17 =	vmovc v29  }
0x70: {  	v27 =	vsub.bf16 v37, v23;
	v28 =	vadd.f32 v22, v28;
	v41 =	vld.idx.msk [tilespmem:v26+s23+$0x0], $0xffff;
	v29 =	vunpack.i.u.bf16.f32 v36  }
0x71: {  	v24 =	vadd.f32 v19, v24;
	v31 =	vand.u32 $0x7FFF7FFF, v31;
	v33 =	vand.u32 $0x7FFF7FFF, v34;
	v22 =	vld.idx.msk [tilespmem:v18+s24+$0x0], $0xffff  }
0x72: {  	v35 =	vand.u32 $0x7FFF7FFF, v35;
	v25 =	vadd.f32 v29, v25;
	v23 =	vld.idx.msk [tilespmem:v20+s24+$0x0], $0xffff;
	v31 =	vmul.bf16 v31, v32;
	v19 =	vmovc v32  }
0x73: {  	v34 =	vld.idx.msk [tilespmem:v30+s24+$0x0], $0xffff;
	v29 =	vmul.bf16 v35, v19;
	v32 =	vmul.bf16 v33, v19;
	v33 =	vand.u32 $0x7FFF7FFF, v27  }
0x74: {  	v37 =	vunpack.i.l.bf16.f32 v36;
	v35 =	vld.idx.msk [tilespmem:v26+s24+$0x0], $0xffff;
	v27 =	vunpack.i.u.bf16.f32 v31;
	v26 =	vunpack.i.l.bf16.f32 v31  }
0x75: {  	v33 =	vmul.bf16 v33, v19;
	v36 =	vld.idx.msk [tilespmem:v30+s23+$0x0], $0xffff;
	v30 =	vunpack.i.u.bf16.f32 v29;
	v42 =	vunpack.i.l.bf16.f32 v32  }
0x76: {  	v21 =	vadd.f32 v37, v21;
	v29 =	vunpack.i.l.bf16.f32 v29;
	v32 =	vunpack.i.u.bf16.f32 v32;
	v31 =	vld.idx.msk [tilespmem:v17+s24+$0x0], $0xffff  }
.Ltmp0:
0x77: {  	v37 =	vadd.s32 s8, v0;
	v11 =	vadd.f32 v26, v11;
	v15 =	vadd.f32 v29, v15;
	v38 =	vld.idx.msk [tilespmem:v18+s23+$0x0], $0xffff;
	(pc) =	sbr.rel @p1 .LBB2_3-.Ltmp0, $4  }
0x78: {  	v43 =	vand.u32 $0x3F, v37;
	v13 =	vadd.f32 v30, v13;
	v14 =	vadd.f32 v32, v14;
	v37 =	vld.idx.msk [tilespmem:v20+s23+$0x0], $0xffff  }
0x79: {  	v39 =	vsub.bf16 v40, v39;
	v26 =	vor.u32 v1, v43;
	v18 =	vor.u32 v2, v43  }
0x7a: {  	v29 =	vor.u32 v3, v43;
	v30 =	vor.u32 v4, v43;
	v35 =	vsub.bf16 v41, v35  }
0x7b: {  	v39 =	vand.u32 $0x7FFF7FFF, v39;
	v16 =	vadd.f32 v42, v16;
	v20 =	vor.u32 v5, v43;
	v32 =	vld [tilespmem:s6+$0x0]  }
0x7c: {  	_ =	sdelay $0x3  }
0x7d: {  	v34 =	vsub.bf16 v36, v34;
	v17 =	vld.idx.msk [tilespmem:v17+s23+$0x0], $0xffff  }
0x7e: {  	v19 =	vmul.bf16 v39, v19;
	v55 =	vunpack.i.u.bf16.f32 v33;
	v22 =	vsub.bf16 v38, v22;
	v56 =	vld.idx.msk [tilespmem:v26+s23+$0x0], $0xffff  }
0x7f: {  	v12 =	vadd.f32 v27, v12;
	v27 =	vunpack.i.l.bf16.f32 v33;
	v58 =	vld.idx.msk [tilespmem:v20+s24+$0x0], $0xffff;
	v23 =	vsub.bf16 v37, v23  }
0x80: {  	v35 =	vand.u32 $0x7FFF7FFF, v35;
	v20 =	vld.idx.msk [tilespmem:v20+s23+$0x0], $0xffff;
	v27 =	vadd.f32 v27, v28;
	v24 =	vadd.f32 v55, v24  }
0x81: {  	v28 =	vld.idx.msk [tilespmem:v18+s24+$0x0], $0xffff;
	v57 =	vunpack.i.u.bf16.f32 v19;
	v22 =	vand.u32 $0x7FFF7FFF, v22;
	v34 =	vand.u32 $0x7FFF7FFF, v34  }
0x82: {  	v18 =	vld.idx.msk [tilespmem:v18+s23+$0x0], $0xffff;
	v19 =	vunpack.i.l.bf16.f32 v19;
	v25 =	vadd.f32 v57, v25;
	v23 =	vand.u32 $0x7FFF7FFF, v23  }
0x83: {  	v59 =	vld.idx.msk [tilespmem:v30+s24+$0x0], $0xffff;
	v19 =	vadd.f32 v19, v21;
	v22 =	vmul.bf16 v22, v32;
	v35 =	vmul.bf16 v35, v32  }
0x84: {  	v26 =	vld.idx.msk [tilespmem:v26+s24+$0x0], $0xffff;
	v34 =	vmul.bf16 v34, v32;
	v21 =	vmul.bf16 v23, v32;
	v17 =	vsub.bf16 v17, v31  }
0x85: {  	v30 =	vld.idx.msk [tilespmem:v30+s23+$0x0], $0xffff;
	v20 =	vsub.bf16 v20, v58;
	v60 =	vunpack.i.u.bf16.f32 v22;
	v22 =	vunpack.i.l.bf16.f32 v22  }
0x86: {  	v61 =	vunpack.i.u.bf16.f32 v35;
	v40 =	vunpack.i.l.bf16.f32 v34;
	v35 =	vunpack.i.l.bf16.f32 v35  }
0x87: {  	v23 =	vunpack.i.u.bf16.f32 v34;
	v18 =	vsub.bf16 v18, v28;
	v15 =	vadd.f32 v35, v15  }
0x88: {  	s6 =	sadd.s32 $0x10, s6;
	v31 =	vunpack.i.u.bf16.f32 v21;
	v11 =	vadd.f32 v22, v11;
	v13 =	vadd.f32 v61, v13  }
0x89: {  	v21 =	vunpack.i.l.bf16.f32 v21;
	v14 =	vadd.f32 v23, v14;
	v22 =	vsub.bf16 v56, v26;
	v23 =	vld [tilespmem:s6+$0x0]  }
0x8a: {  	v28 =	vld.idx.msk [tilespmem:v29+s23+$0x0], $0xffff;
	v17 =	vand.u32 $0x7FFF7FFF, v17;
	v16 =	vadd.f32 v40, v16;
	v26 =	vsub.bf16 v30, v59  }
0x8b: {  	v30 =	vld.idx.msk [tilespmem:v29+s24+$0x0], $0xffff;
	v12 =	vadd.f32 v60, v12;
	v21 =	vadd.f32 v21, v27;
	v17 =	vmul.bf16 v17, v32  }
0x8c: {  	v24 =	vadd.f32 v31, v24;
	v20 =	vand.u32 $0x7FFF7FFF, v20;
	v18 =	vand.u32 $0x7FFF7FFF, v18  }
0x8d: {  	v26 =	vand.u32 $0x7FFF7FFF, v26;
	v22 =	vand.u32 $0x7FFF7FFF, v22;
	v29 =	vunpack.i.u.bf16.f32 v17  }
0x8e: {  	v17 =	vunpack.i.l.bf16.f32 v17;
	v25 =	vadd.f32 v29, v25;
	v18 =	vmul.bf16 v18, v23  }
0x8f: {  	v17 =	vadd.f32 v17, v19;
	v22 =	vmul.bf16 v22, v23;
	v26 =	vmul.bf16 v26, v23  }
0x90: {  	v28 =	vsub.bf16 v28, v30;
	v20 =	vmul.bf16 v20, v23;
	v27 =	vunpack.i.l.bf16.f32 v18  }
0x91: {  	v29 =	vunpack.i.u.bf16.f32 v22;
	v31 =	vunpack.i.l.bf16.f32 v26;
	v22 =	vunpack.i.l.bf16.f32 v22  }
0x92: {  	v26 =	vunpack.i.u.bf16.f32 v26;
	v19 =	vand.u32 $0x7FFF7FFF, v28;
	v15 =	vadd.f32 v22, v15  }
0x93: {  	v18 =	vunpack.i.u.bf16.f32 v18;
	v11 =	vadd.f32 v27, v11;
	v13 =	vadd.f32 v29, v13  }
0x94: {  	v19 =	vmul.bf16 v19, v23;
	v14 =	vadd.f32 v26, v14;
	v16 =	vadd.f32 v31, v16  }
0x95: {  	v22 =	vunpack.i.u.bf16.f32 v20;
	v12 =	vadd.f32 v18, v12;
	v20 =	vunpack.i.l.bf16.f32 v20  }
0x96: {  	v23 =	vadd.s32 s5, v7;
	v18 =	vunpack.i.u.bf16.f32 v19;
	v19 =	vunpack.i.l.bf16.f32 v19  }
0x97: {  	v26 =	vadd.s32 s5, v9;
	v17 =	vadd.f32 v19, v17;
	v19 =	vor.u32 s5, v0  }
0x98: {  	v23 =	vand.u32 $0x7FE8, v23;
	v18 =	vadd.f32 v18, v25;
	v25 =	vor.u32 s5, v6  }
0x99: {  	v27 =	vadd.s32 s5, v10;
	v26 =	vand.u32 $0x7FF8, v26;
	v23 =	vor.u32 v8, v23  }
0x9a: {  	v13 =	vadd.f32 v13, v15;
	v15 =	vor.u32 v8, v26;
	v26 =	vand.u32 $0x7FE8, v27  }
0x9b: {  	v20 =	vadd.f32 v20, v21;
	v11 =	vadd.f32 v12, v11;
	v12 =	vor.u32 v8, v26  }
0x9c: {  	v21 =	vadd.f32 v22, v24;
	[tilespmem:v19+s30+$0x0] =	vst.idx.msk $0xffff, v13;
	v13 =	vadd.f32 v18, v17  }
0x9d: {  	[tilespmem:v25+s30+$0x0] =	vst.idx.msk $0xffff, v11;
	v11 =	vadd.f32 v14, v16  }
0x9e: {  	[tilespmem:v23+s30+$0x0] =	vst.idx.msk $0xffff, v13;
	v13 =	vadd.f32 v21, v20  }
0x9f: {  	[tilespmem:v15+s30+$0x0] =	vst.idx.msk $0xffff, v11  }
0xa0: {  	s8 =	sadd.s32 $0xA0, s5;
	[tilespmem:v12+s30+$0x0] =	vst.idx.msk $0xffff, v13  }
0xa1: {  	[tilespmem:s23], [sflag:$0x1] =	stream.indirect.gather [spmem:s2], $0x40, s8, s22, $0xb8;
	[tilespmem:$0x19770] =	vst v63  }
0xa2: {  	s7 =	sadd.s32 $0x27B0, s5;
	s8 =	simm.s32 $0x0  }
0xa3: {  	v11 =	vadd.s32 s8, v0;
	[tilespmem:s24], [sflag:$0x3] =	stream.indirect.gather [spmem:s2], $0x40, s7, s22, $0xb8;
	[tilespmem:$0x19770] =	vst v63  }
0xa4: {  	v11 =	vand.u32 $0x3F, v11;
	_ =	swait.ge [sflag:s31], $0x1400  }
0xa5: {  	v12 =	vor.u32 v1, v11;
	[sflag:s31] =	ssyncset.done $0x0  }
0xa6: {  	v13 =	vor.u32 v2, v11;
	[sflag:s31] =	ssyncadd.s32 $0xFFFFEC00  }
0xa7: {  	v14 =	vor.u32 v5, v11;
	_ =	swait.ge [sflag:s0], $0x1400  }
0xa8: {  	v15 =	vor.u32 v4, v11;
	[sflag:s0] =	ssyncset.done $0x0  }
0xa9: {  	[sflag:s0] =	ssyncadd.s32 $0xFFFFEC00  }
0xaa: {  	v16 =	vld.idx.msk [tilespmem:v12+s25+$0x0], $0xffff  }
0xab: {  	s6 =	simm.s32 $0x1;
	v17 =	vld.idx.msk [tilespmem:v13+s26+$0x0], $0xffff  }
0xac: {  	v21 =	vor.u32 v3, v11;
	v11 =	vadd.s32 s6, v0;
	v18 =	vld.idx.msk [tilespmem:v14+s26+$0x0], $0xffff  }
0xad: {  	v22 =	vand.u32 $0x3F, v11;
	v20 =	vld.idx.msk [tilespmem:v15+s26+$0x0], $0xffff  }
0xae: {  	v23 =	vor.u32 v1, v22;
	v12 =	vld.idx.msk [tilespmem:v12+s26+$0x0], $0xffff  }
0xaf: {  	v25 =	vor.u32 v4, v22;
	v13 =	vld.idx.msk [tilespmem:v13+s25+$0x0], $0xffff  }
0xb0: {  	v15 =	vld.idx.msk [tilespmem:v15+s25+$0x0], $0xffff  }
0xb1: {  	s7 =	simm.s32 $0x9E20;
	v27 =	vor.u32 v5, v22;
	v14 =	vld.idx.msk [tilespmem:v14+s25+$0x0], $0xffff  }
0xb2: {  	v19 =	vld [tilespmem:s7+$0x0]  }
0xb3: {  	v30 =	vld.idx.msk [tilespmem:v23+s26+$0x0], $0xffff  }
0xb4: {  	v34 =	vld.idx.msk [tilespmem:v25+s26+$0x0], $0xffff  }
0xb5: {  	s8 =	simm.s32 $0x2;
	v36 =	vld.idx.msk [tilespmem:v25+s25+$0x0], $0xffff  }
0xb6: {  	v28 =	vadd.s32 s8, v0;
	v37 =	vld.idx.msk [tilespmem:v27+s25+$0x0], $0xffff  }
0xb7: {  	v63 =	vand.u32 $0x3F, v28;
	v24 =	vor.u32 v2, v22;
	v12 =	vsub.bf16 v16, v12;
	v16 =	vld.idx.msk [tilespmem:v21+s26+$0x0], $0xffff  }
0xb8: {  	v11 =	vimm.f32 $0.0e+00;
	v13 =	vsub.bf16 v13, v17;
	v15 =	vsub.bf16 v15, v20;
	v20 =	vld.idx.msk [tilespmem:v21+s25+$0x0], $0xffff  }
0xb9: {  	v31 =	vor.u32 v4, v63;
	v25 =	vor.u32 v3, v63;
	v17 =	vor.u32 v3, v22;
	v22 =	vld.idx.msk [tilespmem:v23+s25+$0x0], $0xffff  }
0xba: {  	v14 =	vsub.bf16 v14, v18;
	v23 =	vld.idx.msk [tilespmem:v27+s26+$0x0], $0xffff;
	v27 =	vimm.f32 $0.0e+00;
	v13 =	vand.u32 $0x7FFF7FFF, v13  }
0xbb: {  	v15 =	vand.u32 $0x7FFF7FFF, v15;
	v12 =	vand.u32 $0x7FFF7FFF, v12;
	v13 =	vmul.bf16 v13, v19  }
0xbc: {  	v38 =	vld.idx.msk [tilespmem:v24+s25+$0x0], $0xffff;
	v14 =	vand.u32 $0x7FFF7FFF, v14;
	v12 =	vmul.bf16 v12, v19;
	v15 =	vmul.bf16 v15, v19  }
0xbd: {  	v21 =	vld.idx.msk [tilespmem:v24+s26+$0x0], $0xffff;
	v24 =	vimm.f32 $0.0e+00;
	v33 =	vmul.bf16 v14, v19;
	v29 =	vunpack.i.u.bf16.f32 v13  }
0xbe: {  	v13 =	vunpack.i.l.bf16.f32 v13;
	v18 =	vunpack.i.u.bf16.f32 v12;
	v62 =	vunpack.i.l.bf16.f32 v15  }
0xbf: {  	v12 =	vunpack.i.l.bf16.f32 v12;
	v26 =	vunpack.i.u.bf16.f32 v15;
	v16 =	vsub.bf16 v20, v16  }
0xc0: {  	v28 =	vld.idx.msk [tilespmem:v17+s26+$0x0], $0xffff;
	v35 =	vsub.bf16 v22, v30;
	v20 =	vor.u32 v5, v63;
	v30 =	vimm.f32 $0.0e+00  }
0xc1: {  	v22 =	vimm.f32 $0.0e+00;
	v14 =	vadd.f32 v12, v11;
	v15 =	vadd.f32 v13, v11  }
0xc2: {  	s5 =	simm.s32 $0x9E30;
	v13 =	vadd.f32 v18, v11;
	v12 =	vadd.f32 v26, v11;
	v26 =	vor.u32 v1, v63  }
0xc3: {  	s6 =	simm.s32 $0x3;
	v32 =	vld [tilespmem:s5+$0x0];
	v18 =	vor.u32 v2, v63;
	v39 =	vand.u32 $0x7FFF7FFF, v16;
	v16 =	vadd.f32 v62, v11  }
.LBB2_5:
0xc4: {  	p1 =	sne.s32 s6, $0x3F  }
0xc5: {  	v34 =	vsub.bf16 v36, v34;
	s5 =	sadd.s32 $0x10, s5;
	v36 =	vmul.bf16 v39, v19;
	v19 =	vunpack.i.u.bf16.f32 v33;
	v39 =	vmovc v28;
	s7 =	smov.u32 s6;
	s6 =	sadd.s32 $0x1, s6  }
0xc6: {  	v28 =	vsub.bf16 v38, v21;
	v11 =	vadd.f32 v29, v11;
	v21 =	vunpack.i.l.bf16.f32 v33;
	v40 =	vld.idx.msk [tilespmem:v17+s25+$0x0], $0xffff;
	v17 =	vmovc v25  }
0xc7: {  	v25 =	vsub.bf16 v37, v23;
	v30 =	vadd.f32 v21, v30;
	v41 =	vld.idx.msk [tilespmem:v26+s25+$0x0], $0xffff;
	v29 =	vunpack.i.u.bf16.f32 v36  }
0xc8: {  	v27 =	vadd.f32 v19, v27;
	v28 =	vand.u32 $0x7FFF7FFF, v28;
	v33 =	vand.u32 $0x7FFF7FFF, v34;
	v21 =	vld.idx.msk [tilespmem:v18+s26+$0x0], $0xffff  }
0xc9: {  	v35 =	vand.u32 $0x7FFF7FFF, v35;
	v24 =	vadd.f32 v29, v24;
	v23 =	vld.idx.msk [tilespmem:v20+s26+$0x0], $0xffff;
	v28 =	vmul.bf16 v28, v32;
	v19 =	vmovc v32  }
0xca: {  	v25 =	vand.u32 $0x7FFF7FFF, v25;
	v34 =	vld.idx.msk [tilespmem:v31+s26+$0x0], $0xffff;
	v32 =	vmul.bf16 v35, v19;
	v35 =	vmul.bf16 v33, v19  }
0xcb: {  	v37 =	vunpack.i.l.bf16.f32 v36;
	v42 =	vld.idx.msk [tilespmem:v26+s26+$0x0], $0xffff;
	v29 =	vunpack.i.u.bf16.f32 v28;
	v26 =	vunpack.i.l.bf16.f32 v28  }
0xcc: {  	v33 =	vmul.bf16 v25, v19;
	v36 =	vld.idx.msk [tilespmem:v31+s25+$0x0], $0xffff;
	v31 =	vunpack.i.u.bf16.f32 v32;
	v43 =	vunpack.i.l.bf16.f32 v35  }
0xcd: {  	v22 =	vadd.f32 v37, v22;
	v25 =	vunpack.i.l.bf16.f32 v32;
	v32 =	vunpack.i.u.bf16.f32 v35;
	v28 =	vld.idx.msk [tilespmem:v17+s26+$0x0], $0xffff  }
.Ltmp1:
0xce: {  	v35 =	vadd.s32 s7, v0;
	v15 =	vadd.f32 v26, v15;
	v14 =	vadd.f32 v25, v14;
	v38 =	vld.idx.msk [tilespmem:v18+s25+$0x0], $0xffff;
	(pc) =	sbr.rel @p1 .LBB2_5-.Ltmp1, $4  }
0xcf: {  	v44 =	vand.u32 $0x3F, v35;
	v13 =	vadd.f32 v31, v13;
	v12 =	vadd.f32 v32, v12;
	v37 =	vld.idx.msk [tilespmem:v20+s25+$0x0], $0xffff  }
0xd0: {  	v39 =	vsub.bf16 v40, v39;
	v26 =	vor.u32 v1, v44;
	v18 =	vor.u32 v2, v44  }
0xd1: {  	v25 =	vor.u32 v3, v44;
	v31 =	vor.u32 v4, v44;
	v35 =	vsub.bf16 v41, v42  }
0xd2: {  	v39 =	vand.u32 $0x7FFF7FFF, v39;
	v16 =	vadd.f32 v43, v16;
	v20 =	vor.u32 v5, v44;
	v32 =	vld [tilespmem:s5+$0x0]  }
0xd3: {  	_ =	sdelay $0x3  }
0xd4: {  	v17 =	vld.idx.msk [tilespmem:v17+s25+$0x0], $0xffff  }
0xd5: {  	v53 =	vld.idx.msk [tilespmem:v26+s25+$0x0], $0xffff  }
0xd6: {  	v55 =	vld.idx.msk [tilespmem:v18+s26+$0x0], $0xffff  }
0xd7: {  	v57 =	vld.idx.msk [tilespmem:v31+s26+$0x0], $0xffff  }
0xd8: {  	v58 =	vld.idx.msk [tilespmem:v26+s26+$0x0], $0xffff  }
0xd9: {  	v34 =	vsub.bf16 v36, v34;
	v19 =	vmul.bf16 v39, v19;
	v51 =	vunpack.i.u.bf16.f32 v33;
	v60 =	vld.idx.msk [tilespmem:v31+s25+$0x0], $0xffff  }
0xda: {  	v21 =	vsub.bf16 v38, v21;
	v11 =	vadd.f32 v29, v11;
	v52 =	vunpack.i.l.bf16.f32 v33;
	v62 =	vld.idx.msk [tilespmem:v18+s25+$0x0], $0xffff  }
0xdb: {  	v35 =	vand.u32 $0x7FFF7FFF, v35;
	v45 =	vld.idx.msk [tilespmem:v25+s26+$0x0], $0xffff;
	v23 =	vsub.bf16 v37, v23;
	v29 =	vadd.f32 v52, v30  }
0xdc: {  	v46 =	vld.idx.msk [tilespmem:v25+s25+$0x0], $0xffff;
	v27 =	vadd.f32 v51, v27;
	v54 =	vunpack.i.u.bf16.f32 v19;
	v21 =	vand.u32 $0x7FFF7FFF, v21  }
0xdd: {  	v34 =	vand.u32 $0x7FFF7FFF, v34;
	v19 =	vunpack.i.l.bf16.f32 v19;
	v24 =	vadd.f32 v54, v24  }
0xde: {  	v23 =	vand.u32 $0x7FFF7FFF, v23;
	v19 =	vadd.f32 v19, v22;
	v54 =	vadd.s32 s4, v6  }
0xdf: {  	v21 =	vmul.bf16 v21, v32;
	v35 =	vmul.bf16 v35, v32;
	v17 =	vsub.bf16 v17, v28  }
0xe0: {  	v34 =	vmul.bf16 v34, v32;
	v41 =	vsub.bf16 v53, v58;
	v43 =	vsub.bf16 v60, v57  }
0xe1: {  	v23 =	vmul.bf16 v23, v32;
	v18 =	vsub.bf16 v62, v55;
	v25 =	vsub.bf16 v46, v45  }
0xe2: {  	v55 =	vor.u32 s4, v0;
	v57 =	vadd.s32 s4, v9;
	v58 =	vadd.s32 s4, v10  }
0xe3: {  	v59 =	vunpack.i.u.bf16.f32 v21;
	v21 =	vunpack.i.l.bf16.f32 v21;
	v61 =	vunpack.i.u.bf16.f32 v35  }
0xe4: {  	s5 =	sadd.s32 $0x10, s5;
	v35 =	vunpack.i.l.bf16.f32 v35;
	v63 =	vunpack.i.l.bf16.f32 v34;
	v40 =	vunpack.i.u.bf16.f32 v34  }
0xe5: {  	v42 =	vld [tilespmem:s5+$0x0];
	v44 =	vunpack.i.u.bf16.f32 v23;
	v23 =	vunpack.i.l.bf16.f32 v23;
	v14 =	vadd.f32 v35, v14  }
0xe6: {  	v60 =	vand.u32 $0xFFF8, v58;
	v15 =	vadd.f32 v21, v15;
	v13 =	vadd.f32 v61, v13  }
0xe7: {  	v12 =	vadd.f32 v40, v12;
	v17 =	vand.u32 $0x7FFF7FFF, v17;
	v16 =	vadd.f32 v63, v16  }
0xe8: {  	v11 =	vadd.f32 v59, v11;
	v23 =	vadd.f32 v23, v29;
	v18 =	vand.u32 $0x7FFF7FFF, v18  }
0xe9: {  	v22 =	vand.u32 $0x7FFF7FFF, v43;
	v21 =	vand.u32 $0x7FFF7FFF, v41;
	v27 =	vadd.f32 v44, v27  }
0xea: {  	v51 =	vand.u32 $0x7FFF7FFF, v25;
	v17 =	vmul.bf16 v17, v32;
	v18 =	vmul.bf16 v18, v42  }
0xeb: {  	v56 =	vld.idx.msk [tilespmem:v20+s26+$0x0], $0xffff;
	v25 =	vand.u32 $0xFFE8, v57;
	v21 =	vmul.bf16 v21, v42;
	v22 =	vmul.bf16 v22, v42  }
0xec: {  	v35 =	vld.idx.msk [tilespmem:v20+s25+$0x0], $0xffff;
	v47 =	vunpack.i.u.bf16.f32 v17;
	v48 =	vunpack.i.u.bf16.f32 v18;
	v18 =	vunpack.i.l.bf16.f32 v18  }
0xed: {  	v17 =	vunpack.i.l.bf16.f32 v17;
	v49 =	vunpack.i.u.bf16.f32 v21;
	v50 =	vunpack.i.l.bf16.f32 v22  }
0xee: {  	v21 =	vunpack.i.l.bf16.f32 v21;
	v24 =	vadd.f32 v47, v24;
	v17 =	vadd.f32 v17, v19  }
0xef: {  	v22 =	vunpack.i.u.bf16.f32 v22;
	v14 =	vadd.f32 v21, v14;
	v15 =	vadd.f32 v18, v15  }
0xf0: {  	v13 =	vadd.f32 v49, v13;
	v12 =	vadd.f32 v22, v12;
	v18 =	vmul.bf16 v51, v42  }
0xf1: {  	v61 =	vor.u32 v8, v60;
	v11 =	vadd.f32 v48, v11;
	v20 =	vsub.bf16 v35, v56  }
0xf2: {  	v56 =	vadd.s32 s4, v7;
	v53 =	vunpack.i.u.bf16.f32 v18;
	v18 =	vunpack.i.l.bf16.f32 v18  }
0xf3: {  	v20 =	vand.u32 $0x7FFF7FFF, v20;
	v17 =	vadd.f32 v18, v17;
	v18 =	vand.u32 $0xFFE8, v54  }
0xf4: {  	v21 =	vadd.f32 v53, v24;
	v24 =	vand.u32 $0xFFF8, v56;
	v18 =	vor.u32 v8, v18  }
0xf5: {  	v16 =	vadd.f32 v50, v16;
	v20 =	vmul.bf16 v20, v42;
	v24 =	vor.u32 v8, v24  }
0xf6: {  	s17 =	sadd.s32 $0x1, s17;
	v59 =	vor.u32 v8, v25;
	v13 =	vadd.f32 v13, v14;
	v11 =	vadd.f32 v11, v15  }
0xf7: {  	p1 =	sne.s32 s17, $0x3E;
	v62 =	vadd.f32 v21, v17;
	v52 =	vunpack.i.u.bf16.f32 v20;
	v20 =	vunpack.i.l.bf16.f32 v20  }
.Ltmp2:
0xf8: {  	[tilespmem:v55+s30+$0x0] =	vst.idx.msk $0xffff, v13;
	v20 =	vadd.f32 v20, v23;
	v19 =	vadd.f32 v52, v27;
	(pc) =	sbr.rel @p1 .LBB2_2-.Ltmp2, $4  }
0xf9: {  	[tilespmem:v18+s30+$0x0] =	vst.idx.msk $0xffff, v11;
	v11 =	vadd.f32 v12, v16  }
0xfa: {  	v63 =	vadd.f32 v19, v20;
	[tilespmem:v24+s30+$0x0] =	vst.idx.msk $0xffff, v62  }
0xfb: {  	[tilespmem:v59+s30+$0x0] =	vst.idx.msk $0xffff, v11  }
0xfc: {  	[tilespmem:v61+s30+$0x0] =	vst.idx.msk $0xffff, v63  }
0xfd: {  	s4 =	simm.s32 $0x0  }
0xfe: {  	v11 =	vadd.s32 s4, v0  }
0xff: {  	_ =	swait.ge [sflag:s28], $0x1400;
	v11 =	vand.u32 $0x3F, v11  }
0x100: {  	[sflag:s28] =	ssyncset.done $0x0;
	v12 =	vor.u32 v1, v11  }
0x101: {  	[sflag:s28] =	ssyncadd.s32 $0xFFFFEC00;
	v13 =	vor.u32 v2, v11  }
0x102: {  	_ =	swait.ge [sflag:s29], $0x1400;
	v14 =	vor.u32 v5, v11  }
0x103: {  	v15 =	vor.u32 v4, v11;
	[sflag:s29] =	ssyncset.done $0x0  }
0x104: {  	[sflag:s29] =	ssyncadd.s32 $0xFFFFEC00  }
0x105: {  	v16 =	vld.idx.msk [tilespmem:v12+s23+$0x0], $0xffff  }
0x106: {  	v17 =	vld.idx.msk [tilespmem:v13+s24+$0x0], $0xffff  }
0x107: {  	v18 =	vld.idx.msk [tilespmem:v14+s24+$0x0], $0xffff  }
0x108: {  	v20 =	vld.idx.msk [tilespmem:v15+s24+$0x0], $0xffff  }
0x109: {  	v21 =	vld.idx.msk [tilespmem:v12+s24+$0x0], $0xffff  }
0x10a: {  	s8 =	simm.s32 $0x1;
	v13 =	vld.idx.msk [tilespmem:v13+s23+$0x0], $0xffff  }
0x10b: {  	v11 =	vor.u32 v3, v11;
	v15 =	vld.idx.msk [tilespmem:v15+s23+$0x0], $0xffff;
	v12 =	vadd.s32 s8, v0  }
0x10c: {  	s17 =	simm.s32 $0x2;
	v14 =	vld.idx.msk [tilespmem:v14+s23+$0x0], $0xffff;
	v22 =	vand.u32 $0x3F, v12  }
0x10d: {  	s5 =	simm.s32 $0x9E20;
	v30 =	vadd.s32 s17, v0;
	v23 =	vor.u32 v1, v22  }
0x10e: {  	v37 =	vand.u32 $0x3F, v30;
	v19 =	vld [tilespmem:s5+$0x0];
	v24 =	vor.u32 v2, v22  }
0x10f: {  	v30 =	vor.u32 v4, v37;
	v12 =	vimm.f32 $0.0e+00;
	v13 =	vsub.bf16 v13, v17  }
0x110: {  	v26 =	vld.idx.msk [tilespmem:v11+s23+$0x0], $0xffff;
	v25 =	vor.u32 v4, v22;
	v16 =	vsub.bf16 v16, v21;
	v15 =	vsub.bf16 v15, v20  }
0x111: {  	v20 =	vld.idx.msk [tilespmem:v11+s24+$0x0], $0xffff;
	v21 =	vor.u32 v5, v22;
	v14 =	vsub.bf16 v14, v18;
	v17 =	vor.u32 v3, v22  }
0x112: {  	v13 =	vand.u32 $0x7FFF7FFF, v13;
	v11 =	vand.u32 $0x7FFF7FFF, v15;
	v15 =	vand.u32 $0x7FFF7FFF, v16;
	v16 =	vld.idx.msk [tilespmem:v23+s23+$0x0], $0xffff  }
0x113: {  	v22 =	vld.idx.msk [tilespmem:v24+s24+$0x0], $0xffff;
	v14 =	vand.u32 $0x7FFF7FFF, v14;
	v13 =	vmul.bf16 v13, v19;
	v15 =	vmul.bf16 v15, v19  }
0x114: {  	v38 =	vld.idx.msk [tilespmem:v24+s23+$0x0], $0xffff;
	v24 =	vimm.f32 $0.0e+00;
	v11 =	vmul.bf16 v11, v19;
	v33 =	vmul.bf16 v14, v19  }
0x115: {  	v29 =	vld.idx.msk [tilespmem:v23+s24+$0x0], $0xffff;
	v28 =	vunpack.i.u.bf16.f32 v13;
	v13 =	vunpack.i.l.bf16.f32 v13;
	v18 =	vunpack.i.u.bf16.f32 v15  }
0x116: {  	v34 =	vld.idx.msk [tilespmem:v25+s24+$0x0], $0xffff;
	v32 =	vunpack.i.l.bf16.f32 v11;
	v14 =	vunpack.i.l.bf16.f32 v15;
	v27 =	vunpack.i.u.bf16.f32 v11  }
0x117: {  	v36 =	vld.idx.msk [tilespmem:v25+s23+$0x0], $0xffff;
	v25 =	vsub.bf16 v26, v20;
	v26 =	vor.u32 v3, v37;
	v15 =	vadd.f32 v14, v12  }
0x118: {  	v31 =	vld.idx.msk [tilespmem:v17+s24+$0x0], $0xffff;
	v20 =	vor.u32 v5, v37;
	v11 =	vadd.f32 v13, v12;
	v13 =	vadd.f32 v18, v12  }
0x119: {  	v23 =	vld.idx.msk [tilespmem:v21+s24+$0x0], $0xffff;
	v14 =	vadd.f32 v27, v12;
	v27 =	vor.u32 v1, v37;
	v18 =	vor.u32 v2, v37  }
0x11a: {  	s4 =	simm.s32 $0x9E30;
	v37 =	vld.idx.msk [tilespmem:v21+s23+$0x0], $0xffff;
	v21 =	vimm.f32 $0.0e+00;
	v35 =	vsub.bf16 v16, v29;
	v39 =	vand.u32 $0x7FFF7FFF, v25  }
0x11b: {  	s5 =	simm.s32 $0x3;
	v16 =	vadd.f32 v32, v12;
	v29 =	vimm.f32 $0.0e+00;
	v32 =	vld [tilespmem:s4+$0x0];
	v25 =	vimm.f32 $0.0e+00  }
.LBB2_8:
0x11c: {  	p1 =	sne.s32 s5, $0x3F  }
0x11d: {  	v34 =	vsub.bf16 v36, v34;
	s4 =	sadd.s32 $0x10, s4;
	v36 =	vmul.bf16 v39, v19;
	v19 =	vunpack.i.u.bf16.f32 v33;
	v39 =	vmovc v31;
	s6 =	smov.u32 s5;
	s5 =	sadd.s32 $0x1, s5  }
0x11e: {  	v31 =	vsub.bf16 v38, v22;
	v12 =	vadd.f32 v28, v12;
	v22 =	vunpack.i.l.bf16.f32 v33;
	v40 =	vld.idx.msk [tilespmem:v17+s23+$0x0], $0xffff;
	v17 =	vmovc v26  }
0x11f: {  	v26 =	vsub.bf16 v37, v23;
	v29 =	vadd.f32 v22, v29;
	v41 =	vld.idx.msk [tilespmem:v27+s23+$0x0], $0xffff;
	v28 =	vunpack.i.u.bf16.f32 v36  }
0x120: {  	v24 =	vadd.f32 v19, v24;
	v31 =	vand.u32 $0x7FFF7FFF, v31;
	v33 =	vand.u32 $0x7FFF7FFF, v34;
	v22 =	vld.idx.msk [tilespmem:v18+s24+$0x0], $0xffff  }
0x121: {  	v35 =	vand.u32 $0x7FFF7FFF, v35;
	v25 =	vadd.f32 v28, v25;
	v23 =	vld.idx.msk [tilespmem:v20+s24+$0x0], $0xffff;
	v31 =	vmul.bf16 v31, v32;
	v19 =	vmovc v32  }
0x122: {  	v26 =	vand.u32 $0x7FFF7FFF, v26;
	v34 =	vld.idx.msk [tilespmem:v30+s24+$0x0], $0xffff;
	v32 =	vmul.bf16 v35, v19;
	v35 =	vmul.bf16 v33, v19  }
0x123: {  	v37 =	vunpack.i.l.bf16.f32 v36;
	v42 =	vld.idx.msk [tilespmem:v27+s24+$0x0], $0xffff;
	v28 =	vunpack.i.u.bf16.f32 v31;
	v27 =	vunpack.i.l.bf16.f32 v31  }
0x124: {  	v33 =	vmul.bf16 v26, v19;
	v36 =	vld.idx.msk [tilespmem:v30+s23+$0x0], $0xffff;
	v30 =	vunpack.i.u.bf16.f32 v32;
	v43 =	vunpack.i.l.bf16.f32 v35  }
0x125: {  	v21 =	vadd.f32 v37, v21;
	v26 =	vunpack.i.l.bf16.f32 v32;
	v32 =	vunpack.i.u.bf16.f32 v35;
	v31 =	vld.idx.msk [tilespmem:v17+s24+$0x0], $0xffff  }
.Ltmp3:
0x126: {  	v35 =	vadd.s32 s6, v0;
	v11 =	vadd.f32 v27, v11;
	v15 =	vadd.f32 v26, v15;
	v38 =	vld.idx.msk [tilespmem:v18+s23+$0x0], $0xffff;
	(pc) =	sbr.rel @p1 .LBB2_8-.Ltmp3, $4  }
0x127: {  	v44 =	vand.u32 $0x3F, v35;
	v13 =	vadd.f32 v30, v13;
	v14 =	vadd.f32 v32, v14;
	v37 =	vld.idx.msk [tilespmem:v20+s23+$0x0], $0xffff  }
0x128: {  	v39 =	vsub.bf16 v40, v39;
	v27 =	vor.u32 v1, v44;
	v18 =	vor.u32 v2, v44  }
0x129: {  	v26 =	vor.u32 v3, v44;
	v30 =	vor.u32 v4, v44;
	v35 =	vsub.bf16 v41, v42  }
0x12a: {  	v39 =	vand.u32 $0x7FFF7FFF, v39;
	v16 =	vadd.f32 v43, v16;
	v20 =	vor.u32 v5, v44;
	v32 =	vld [tilespmem:s4+$0x0]  }
0x12b: {  	_ =	sdelay $0x3  }
0x12c: {  	v17 =	vld.idx.msk [tilespmem:v17+s23+$0x0], $0xffff  }
0x12d: {  	v54 =	vld.idx.msk [tilespmem:v27+s23+$0x0], $0xffff  }
0x12e: {  	v56 =	vld.idx.msk [tilespmem:v18+s24+$0x0], $0xffff  }
0x12f: {  	v57 =	vld.idx.msk [tilespmem:v20+s24+$0x0], $0xffff  }
0x130: {  	v58 =	vld.idx.msk [tilespmem:v30+s24+$0x0], $0xffff  }
0x131: {  	v59 =	vld.idx.msk [tilespmem:v27+s24+$0x0], $0xffff  }
0x132: {  	v34 =	vsub.bf16 v36, v34;
	v61 =	vld.idx.msk [tilespmem:v30+s23+$0x0], $0xffff  }
0x133: {  	v19 =	vmul.bf16 v39, v19;
	v52 =	vunpack.i.u.bf16.f32 v33;
	v22 =	vsub.bf16 v38, v22;
	v63 =	vld.idx.msk [tilespmem:v18+s23+$0x0], $0xffff  }
0x134: {  	v12 =	vadd.f32 v28, v12;
	v53 =	vunpack.i.l.bf16.f32 v33;
	v42 =	vld.idx.msk [tilespmem:v20+s23+$0x0], $0xffff;
	v23 =	vsub.bf16 v37, v23  }
0x135: {  	v35 =	vand.u32 $0x7FFF7FFF, v35;
	v48 =	vld.idx.msk [tilespmem:v26+s24+$0x0], $0xffff;
	v28 =	vadd.f32 v53, v29;
	v24 =	vadd.f32 v52, v24  }
0x136: {  	v50 =	vld.idx.msk [tilespmem:v26+s23+$0x0], $0xffff;
	v55 =	vunpack.i.u.bf16.f32 v19;
	v22 =	vand.u32 $0x7FFF7FFF, v22;
	v34 =	vand.u32 $0x7FFF7FFF, v34  }
0x137: {  	v19 =	vunpack.i.l.bf16.f32 v19;
	v25 =	vadd.f32 v55, v25;
	v23 =	vand.u32 $0x7FFF7FFF, v23  }
0x138: {  	v19 =	vadd.f32 v19, v21;
	v22 =	vmul.bf16 v22, v32;
	v35 =	vmul.bf16 v35, v32  }
0x139: {  	v34 =	vmul.bf16 v34, v32;
	v17 =	vsub.bf16 v17, v31;
	v44 =	vsub.bf16 v54, v59  }
0x13a: {  	v41 =	vmul.bf16 v23, v32;
	v46 =	vsub.bf16 v61, v58;
	v18 =	vsub.bf16 v63, v56  }
0x13b: {  	v20 =	vsub.bf16 v42, v57;
	v26 =	vsub.bf16 v50, v48;
	v56 =	vor.u32 $0x26C0, v0  }
0x13c: {  	v57 =	vor.u32 $0x26D0, v0;
	v58 =	vor.u32 $0x26E0, v0;
	v59 =	vor.u32 $0x26F0, v0  }
0x13d: {  	v60 =	vunpack.i.u.bf16.f32 v22;
	v22 =	vunpack.i.l.bf16.f32 v22;
	v62 =	vunpack.i.u.bf16.f32 v35  }
0x13e: {  	s4 =	sadd.s32 $0x10, s4;
	v40 =	vunpack.i.l.bf16.f32 v34;
	v35 =	vunpack.i.l.bf16.f32 v35;
	v43 =	vunpack.i.u.bf16.f32 v34  }
0x13f: {  	v45 =	vld [tilespmem:s4+$0x0];
	v47 =	vunpack.i.u.bf16.f32 v41;
	v15 =	vadd.f32 v35, v15;
	v11 =	vadd.f32 v22, v11  }
0x140: {  	v21 =	vunpack.i.l.bf16.f32 v41;
	v13 =	vadd.f32 v62, v13;
	v14 =	vadd.f32 v43, v14  }
0x141: {  	v17 =	vand.u32 $0x7FFF7FFF, v17;
	v16 =	vadd.f32 v40, v16;
	v12 =	vadd.f32 v60, v12  }
0x142: {  	v21 =	vadd.f32 v21, v28;
	v18 =	vand.u32 $0x7FFF7FFF, v18;
	v27 =	vand.u32 $0x7FFF7FFF, v46  }
0x143: {  	v24 =	vadd.f32 v47, v24;
	v22 =	vand.u32 $0x7FFF7FFF, v44;
	v17 =	vmul.bf16 v17, v32  }
0x144: {  	v20 =	vand.u32 $0x7FFF7FFF, v20;
	v18 =	vmul.bf16 v18, v45;
	v22 =	vmul.bf16 v22, v45  }
0x145: {  	v54 =	vand.u32 $0x7FFF7FFF, v26;
	v27 =	vmul.bf16 v27, v45;
	v20 =	vmul.bf16 v20, v45  }
0x146: {  	v49 =	vunpack.i.u.bf16.f32 v17;
	v51 =	vunpack.i.u.bf16.f32 v18;
	v18 =	vunpack.i.l.bf16.f32 v18  }
0x147: {  	v17 =	vunpack.i.l.bf16.f32 v17;
	v52 =	vunpack.i.u.bf16.f32 v22;
	v53 =	vunpack.i.l.bf16.f32 v27  }
0x148: {  	v22 =	vunpack.i.l.bf16.f32 v22;
	v25 =	vadd.f32 v49, v25;
	v17 =	vadd.f32 v17, v19  }
0x149: {  	v27 =	vunpack.i.u.bf16.f32 v27;
	v15 =	vadd.f32 v22, v15;
	v11 =	vadd.f32 v18, v11  }
0x14a: {  	v13 =	vadd.f32 v52, v13;
	v14 =	vadd.f32 v27, v14;
	v18 =	vmul.bf16 v54, v45  }
0x14b: {  	v55 =	vunpack.i.u.bf16.f32 v20;
	v16 =	vadd.f32 v53, v16;
	v12 =	vadd.f32 v51, v12  }
0x14c: {  	v23 =	vunpack.i.u.bf16.f32 v18;
	v18 =	vunpack.i.l.bf16.f32 v18;
	v13 =	vadd.f32 v13, v15  }
0x14d: {  	v20 =	vunpack.i.l.bf16.f32 v20;
	v23 =	vadd.f32 v23, v25;
	v17 =	vadd.f32 v18, v17  }
0x14e: {  	v61 =	vor.u32 $0x2700, v0;
	v60 =	vadd.f32 v20, v21;
	v11 =	vadd.f32 v12, v11  }
0x14f: {  	v19 =	vadd.f32 v55, v24;
	[tilespmem:v56+s30+$0x0] =	vst.idx.msk $0xffff, v13;
	v62 =	vadd.f32 v23, v17  }
0x150: {  	[tilespmem:v57+s30+$0x0] =	vst.idx.msk $0xffff, v11;
	v11 =	vadd.f32 v14, v16  }
0x151: {  	v63 =	vadd.f32 v19, v60;
	[tilespmem:v58+s30+$0x0] =	vst.idx.msk $0xffff, v62  }
0x152: {  	[tilespmem:v59+s30+$0x0] =	vst.idx.msk $0xffff, v11  }
0x153: {  	s8 =	rddreg [dreg:$0x9];
	[tilespmem:v61+s30+$0x0] =	vst.idx.msk $0xffff, v63  }
0x154: {  	[hbm4b:s8+s3] =	stream.linear.scatter [tilespmem:s30], [sflag:$0x5], $0x2710, $0x38;
	[tilespmem:$0x19770] =	vst v63  }
0x155: {  	_ =	swait.ge [sflag:s18], $0x2710  }
0x156: {  	s1 =	sadd.s32 $0x1, s1;
	s17 =	rddreg [dreg:$0xa]  }
0x157: {  	p1 =	sne.s32 s1, s17  }
.Ltmp4:
0x158: {  	_ = 	snop;
	(pc) =	sbr.rel @p1 .LBB2_1-.Ltmp4, $3  }
0x159: {  	_ =	sdelay $0x1  }
0x15a: {  	[sflag:s18] =	ssyncset.done $0x0  }
0x15b: {  	[sflag:s18] =	ssyncadd.s32 $0xFFFFD8F0  }
0x15c: {  	_ =	sfence.sel $0x180000  }
0x15d: {  	[bflag:$0x0] =	sbarrier.arrive $0xFFFF  }
0x15e: {  	_ =	strace $0x90000047  }
0x15f: {  	s0 =	stileid.u32;
	[bflag:$0x2] =	sbarrier.arrive $0xFFFF  }
0x160: {  	p0 =	sne.s32 s0, $0x0;
	s0 =	rddreg [dreg:$0x5]  }
0x161: {  	s0 =	sadd.s32 @!p0 $0x100000, s0  }
0x162: {  	[sflag:s0] =	ssyncadd.tile.s32 @!p0 $0x1;
	_ =	shalt  }
.Lfunc_end2:
_tile_overlayer_lowered:
.L_overlay_start_2:
0x163: {  	(tag) =	ssettag $0x2  }
0x164: {  	s0 =	rddreg [dreg:$0x0];
	s2 =	stileid.u32  }
0x165: {  	s1 =	rddreg [dreg:$0x1];
	p0 =	sne.s32 s2, $0x0  }
0x166: {  	s3 =	rddreg [dreg:$0x2];
	[bflag:$0x3] =	sbarrier.arrive $0xFFFF;
	s2 =	simm.s32 @!p0 $0x1C05  }
0x167: {  	[timem:s3], [sflag:s2] =	dma.local @!p0 [hbm:s0], s1  }
0x168: {  	s0 =	simm.s32 @!p0 $0x5  }
0x169: {  	_ =	swait.ge @!p0 [sflag:s0], s1  }
0x16a: {  	s1 =	ssub.s32 @!p0 $0x0, s1;
	[sflag:s0] =	ssyncset.done @!p0 $0x0  }
0x16b: {  	[sflag:s0] =	ssyncadd.s32 @!p0 s1  }
0x16c: {  	[bflag:$0x3] =	sbarrier.arrive $0xFFFF  }
0x16d: {  	_ =	shalt  }

</sc_bundles>
